<compile_context>
chip_gen: v7x
topology: tpu7x:2x2x1
jax: 0.10.2.dev20260603
libtpu: 0.0.44.dev20260713+nightly
codegen_flags: <defaults>
</compile_context>

<pallas_src>
import functools

import jax
import jax.numpy as jnp
from jax import lax
from jax.experimental import pallas as pl
from jax.experimental.pallas import tpu as pltpu
from jax.experimental.pallas import tpu_sc as plsc

N = 10000
NPAD = 10240
E = 320000
F = 128
NC = 2
NS = 16
NW = NC * NS

WIN = 128
CHW = 40
NCH = 4
EPT = NCH * CHW * WIN
EPAD = NS * EPT

DEG_WPW = 80
DPT = NPAD // NS

_mesh = plsc.VectorSubcoreMesh(
    core_axis_name="c", subcore_axis_name="s", num_cores=NC, num_subcores=NS)



@functools.partial(
    pl.kernel,
    out_type=jax.ShapeDtypeStruct((NC, NPAD), jnp.float32),
    mesh=_mesh,
    scratch_types=[
        pltpu.VMEM((DEG_WPW, WIN), jnp.int32),
        pltpu.VMEM((DPT,), jnp.float32),
        pltpu.VMEM((WIN,), jnp.float32),
        pltpu.VMEM_SHARED((NPAD,), jnp.float32),
    ],
)
def _deg_kernel(dst_hbm, deg_out, dst_v, zbuf, ones_v, deg_sh):
    c = lax.axis_index("c")
    s = lax.axis_index("s")
    wid = s * NC + c

    def zfill(i, carry):
        zbuf[pl.ds(i * 16, 16)] = jnp.zeros((16,), jnp.float32)
        return carry
    lax.fori_loop(0, DPT // 16, zfill, 0)

    def ofill(i, carry):
        ones_v[pl.ds(i * 16, 16)] = jnp.ones((16,), jnp.float32)
        return carry
    lax.fori_loop(0, WIN // 16, ofill, 0)

    pltpu.sync_copy(zbuf, deg_sh.at[pl.ds(s * DPT, DPT)])
    pltpu.sync_copy(dst_hbm.at[wid], dst_v)
    plsc.subcore_barrier()

    def w(j, carry):
        pltpu.sync_copy(ones_v, deg_sh.at[dst_v.at[j]], add=True)
        return carry
    lax.fori_loop(0, DEG_WPW, w, 0)

    plsc.subcore_barrier()
    pltpu.sync_copy(deg_sh.at[pl.ds(s * DPT, DPT)],
                    deg_out.at[c, pl.ds(s * DPT, DPT)])


@functools.partial(
    pl.kernel,
    out_type=jax.ShapeDtypeStruct((NC, NPAD, F), jnp.float32),
    mesh=_mesh,
    scratch_types=[
        pltpu.VMEM((CHW, WIN), jnp.int32),
        pltpu.VMEM((CHW, WIN), jnp.int32),
        pltpu.VMEM((WIN, F), jnp.float32),
        pltpu.VMEM((WIN, F), jnp.float32),
        pltpu.VMEM_SHARED((NPAD, F), jnp.float32),
        pltpu.SemaphoreType.DMA,
        pltpu.SemaphoreType.DMA,
    ],
)
def _layer_kernel(g_hbm, src_hbm, dst_hbm, out_hbm, src_v, dst_v, buf_a, buf_b,
                  agg_sh, sem_a, sem_b):
    c = lax.axis_index("c")
    s = lax.axis_index("s")

    pltpu.sync_copy(g_hbm.at[pl.ds(c * NPAD + s * DPT, DPT)],
                    agg_sh.at[pl.ds(s * DPT, DPT)])
    plsc.subcore_barrier()

    def chunk(ch, carry):
        pltpu.sync_copy(src_hbm.at[c, s, ch], src_v)
        pltpu.sync_copy(dst_hbm.at[s, ch], dst_v)
        pltpu.async_copy(g_hbm.at[src_v.at[0]], buf_a, sem_a)
        pltpu.async_copy(g_hbm.at[src_v.at[1]], buf_b, sem_b)

        def pair(t, carry2):
            w0 = 2 * t
            pltpu.make_async_copy(g_hbm.at[src_v.at[w0]], buf_a, sem_a).wait()
            pltpu.sync_copy(buf_a, agg_sh.at[dst_v.at[w0]], add=True)

            @pl.when(w0 + 2 < CHW)
            def _():
                pltpu.async_copy(g_hbm.at[src_v.at[w0 + 2]], buf_a, sem_a)

            pltpu.make_async_copy(g_hbm.at[src_v.at[w0 + 1]], buf_b, sem_b).wait()
            pltpu.sync_copy(buf_b, agg_sh.at[dst_v.at[w0 + 1]], add=True)

            @pl.when(w0 + 3 < CHW)
            def _():
                pltpu.async_copy(g_hbm.at[src_v.at[w0 + 3]], buf_b, sem_b)
            return carry2
        lax.fori_loop(0, CHW // 2, pair, 0)
        return carry
    lax.fori_loop(0, NCH, chunk, 0)

    plsc.subcore_barrier()
    pltpu.sync_copy(agg_sh.at[pl.ds(s * DPT, DPT)],
                    out_hbm.at[c, pl.ds(s * DPT, DPT)])



RB = 2048
_GRID = (2, NPAD // RB)

_DOT = dict(preferred_element_type=jnp.float32, precision=lax.Precision.HIGHEST)


def _rsqrt(d):
    y = lax.rsqrt(d)
    return y * (1.5 - 0.5 * d * y * y)


def _dis_of(degp_ref):
    d = degp_ref[0, :, 0] + degp_ref[1, :, 0] + 1.0
    return _rsqrt(jnp.maximum(d, 1.0))


def _entry_body(seq_ref, degp_ref, w_ref, b_ref, g_ref):
    dis = _dis_of(degp_ref)
    h = jnp.dot(seq_ref[0], w_ref[...], **_DOT) + b_ref[0][None, :]
    g_ref[0] = h * dis[:, None]


def _mid_body(s_ref, degp_ref, w_ref, b_ref, alpha_ref, g_ref):
    dis = _dis_of(degp_ref)
    a = s_ref[0] * dis[:, None]
    x = jnp.where(a >= 0.0, a, alpha_ref[0, 0] * a)
    h = jnp.dot(x, w_ref[...], **_DOT) + b_ref[0][None, :]
    g_ref[0] = h * dis[:, None]


def _final_body(s_ref, degp_ref, wd_ref, alpha_ref, bd_ref, out_ref):
    dis = _dis_of(degp_ref)
    alpha = alpha_ref[0, 0]
    a1 = s_ref[0] * dis[:, None]
    h1 = jnp.where(a1 >= 0.0, a1, alpha * a1)
    a2 = s_ref[1] * dis[:, None]
    h2 = jnp.where(a2 >= 0.0, a2, alpha * a2)
    row = lax.broadcasted_iota(jnp.int32, (NPAD, F), 0)
    h1m = jnp.where(row < N, h1, 0.0)
    cvec = jax.nn.sigmoid(jnp.sum(h1m, axis=0, keepdims=True) * (1.0 / N))
    cw = lax.dot_general(wd_ref[...], cvec, (((1,), (1,)), ((), ())), **_DOT)
    bd = bd_ref[0, 0]
    out_ref[0] = jnp.dot(h1, cw, **_DOT) + bd
    out_ref[1] = jnp.dot(h2, cw, **_DOT) + bd


_entry = pl.pallas_call(
    _entry_body,
    grid=_GRID,
    in_specs=[
        pl.BlockSpec((1, RB, F), lambda i, j: (i, j, 0)),
        pl.BlockSpec((2, RB, 1), lambda i, j: (0, j, 0)),
        pl.BlockSpec((F, F), lambda i, j: (0, 0)),
        pl.BlockSpec((1, F), lambda i, j: (0, 0)),
    ],
    out_specs=pl.BlockSpec((1, RB, F), lambda i, j: (i, j, 0)),
    out_shape=jax.ShapeDtypeStruct((2, NPAD, F), jnp.float32),
)

_mid = pl.pallas_call(
    _mid_body,
    grid=_GRID,
    in_specs=[
        pl.BlockSpec((1, RB, F), lambda i, j: (i, j, 0)),
        pl.BlockSpec((2, RB, 1), lambda i, j: (0, j, 0)),
        pl.BlockSpec((F, F), lambda i, j: (0, 0)),
        pl.BlockSpec((1, F), lambda i, j: (0, 0)),
        pl.BlockSpec((1, 1), lambda i, j: (0, 0)),
    ],
    out_specs=pl.BlockSpec((1, RB, F), lambda i, j: (i, j, 0)),
    out_shape=jax.ShapeDtypeStruct((2, NPAD, F), jnp.float32),
)

_final = pl.pallas_call(
    _final_body,
    out_shape=jax.ShapeDtypeStruct((2, NPAD, 1), jnp.float32),
    compiler_params=pltpu.CompilerParams(vmem_limit_bytes=100 * 1024 * 1024),
)


def kernel(seq1, seq2, edge_index, W1, b1, W2, b2, W3, b3, alpha, Wd, bd):
    src = edge_index[0].astype(jnp.int32)
    dst = edge_index[1].astype(jnp.int32)

    P = EPAD - E
    pad_src = jnp.arange(P, dtype=jnp.int32) % N
    pad_dst = N + jnp.arange(P, dtype=jnp.int32) % (NPAD - N)
    srcp = jnp.concatenate([src, pad_src])
    dstp = jnp.concatenate([dst, pad_dst])

    degp = _deg_kernel(dstp.reshape(NW, DEG_WPW, WIN))
    degp = degp.reshape(2, NPAD, 1)

    src4 = srcp.reshape(NS, NCH, CHW, WIN)
    src_sc = jnp.stack([src4, src4 + NPAD])
    dst4 = dstp.reshape(NS, NCH, CHW, WIN)

    pad = ((0, 0), (0, NPAD - N), (0, 0))
    seqs = jnp.pad(jnp.stack([seq1, seq2]), pad)
    alpha_a = alpha.reshape(1, 1)
    bd_a = bd.reshape(1, 1)

    g = _entry(seqs, degp, W1, b1.reshape(1, F))
    s_agg = _layer_kernel(g.reshape(2 * NPAD, F), src_sc, dst4)
    g = _mid(s_agg, degp, W2, b2.reshape(1, F), alpha_a)
    s_agg = _layer_kernel(g.reshape(2 * NPAD, F), src_sc, dst4)
    g = _mid(s_agg, degp, W3, b3.reshape(1, F), alpha_a)
    s_agg = _layer_kernel(g.reshape(2 * NPAD, F), src_sc, dst4)
    out2 = _final(s_agg, degp, Wd, alpha_a, bd_a)
    return jnp.concatenate([out2[0, :N, 0], out2[1, :N, 0]])

# --- scband reference (transcript-rebuilt; emitter-appended) ---
"""Pipeline reference for scband-dgi-43069932044741 (READ-ONLY COPY).

The authoritative reference and input builder live on the scoring server;
editing this copy changes nothing except your own understanding.
"""

import jax, jax.numpy as jnp
import numpy as np

N = 10000
E = 320000
N_IN = 128
N_H = 128


def _glorot(key, shape):
    lim = jnp.sqrt(6.0 / (shape[0] + shape[1]))
    return jax.random.uniform(key, shape, jnp.float32, -lim, lim)


def setup_inputs(seed: int = 0):
    key = jax.random.key(seed)
    ks = jax.random.split(key, 8)
    seq1 = jax.random.normal(ks[0], (N, N_IN), jnp.float32)
    seq2 = jax.random.normal(ks[1], (N, N_IN), jnp.float32)
    edge_index = jax.random.randint(ks[2], (2, E), 0, N)
    W1 = _glorot(ks[3], (N_IN, N_H)); b1 = jnp.zeros((N_H,), jnp.float32)
    W2 = _glorot(ks[4], (N_H, N_H)); b2 = jnp.zeros((N_H,), jnp.float32)
    W3 = _glorot(ks[5], (N_H, N_H)); b3 = jnp.zeros((N_H,), jnp.float32)
    alpha = jnp.array(0.25, jnp.float32)
    Wd = _glorot(ks[6], (N_H, N_H))
    bd = jnp.zeros((), jnp.float32)
    return {"seq1": seq1, "seq2": seq2, "edge_index": edge_index,
            "W1": W1, "b1": b1, "W2": W2, "b2": b2, "W3": W3, "b3": b3,
            "alpha": alpha, "Wd": Wd, "bd": bd}


def _prelu(x, a):
    return jnp.where(x >= 0, x, a * x)


def _gcn(x, src, dst, norm, params, alpha):
    # 3-layer GCN with symmetric normalization + self-loops, shared PReLU act
    for W, b in params:
        h = x @ W + b
        msg = h[src] * norm[:, None]
        agg = jax.ops.segment_sum(msg, dst, num_segments=N)
        x = _prelu(agg, alpha)
    return x


def reference(seq1, seq2, edge_index, W1, b1, W2, b2, W3, b3, alpha, Wd, bd):
    loop = jnp.arange(N, dtype=edge_index.dtype)
    src = jnp.concatenate([edge_index[0], loop])
    dst = jnp.concatenate([edge_index[1], loop])
    deg = jax.ops.segment_sum(jnp.ones_like(src, jnp.float32), dst, num_segments=N)
    dis = jax.lax.rsqrt(jnp.maximum(deg, 1.0))
    norm = dis[src] * dis[dst]
    params = [(W1, b1), (W2, b2), (W3, b3)]
    h1 = _gcn(seq1, src, dst, norm, params, alpha)
    h2 = _gcn(seq2, src, dst, norm, params, alpha)
    # AvgReadout with msk=None: mean over nodes, then sigmoid
    c = jax.nn.sigmoid(jnp.mean(h1, axis=0))
    # Discriminator: Bilinear(n_h, n_h, 1): sc_i = h_i @ W @ c + b
    cW = Wd @ c
    sc1 = h1 @ cW + bd
    sc2 = h2 @ cW + bd
    return jnp.concatenate([sc1, sc2], axis=0)

if __name__ == "__main__":
    import jax
    _d = setup_inputs()
    print(jax.jit(kernel)(*tuple(_d.values())))

</pallas_src>

<mosaic_0001>
#map = affine_map<(d0, d1) -> (0, 0, 0)>
#map1 = affine_map<(d0, d1) -> (0, 0)>
module attributes {stable_mosaic.version = 14 : i64} {
  func.func @_deg_kernel(%arg0: i32, %arg1: i32, %arg2: memref<32x80x128xi32, #tpu.memory_space<hbm>>, %arg3: memref<2x10240xf32, #tpu.memory_space<hbm>>, %arg4: memref<80x128xi32, #tpu.memory_space<vmem>>, %arg5: memref<640xf32, #tpu.memory_space<vmem>>, %arg6: memref<128xf32, #tpu.memory_space<vmem>>, %arg7: memref<10240xf32, #tpu.memory_space<vmem_shared>>) attributes {dimension_semantics = [#tpu.dimension_semantics<core_parallel>, #tpu.dimension_semantics<subcore_parallel>], iteration_bounds = array<i64: 2, 16>, scalar_prefetch = 0 : i64, scratch_operands = 4 : i64, tpu.core_type = #tpu.core_type<sc_vector_subcore>, window_params = [{transform_indices = #map}, {transform_indices = #map1}]} {
    %mul3A = arith.constant 2 : i32
    %mul3A_0 = arith.muli %arg1, %mul3A : i32
    %add3A = arith.addi %mul3A_0, %arg0 : i32
    %scan3A = arith.constant 0 : i32
    %scan3A_1 = arith.constant 0 : i32
    %scan3A_2 = arith.constant 40 : i32
    %scan3A_3 = arith.addi %scan3A_1, %scan3A_2 : i32
    %scan3A_4 = arith.constant 1 : i32
    scf.for %scan3A_25 = %scan3A_1 to %scan3A_3 step %scan3A_4  : i32 {
      %broadcast_in_dim3A = arith.constant 0.000000e+00 : f32
      %broadcast_in_dim3A_26 = vector.broadcast %broadcast_in_dim3A : f32 to vector<16xf32>
      %mul3A_27 = arith.constant 16 : i32
      %mul3A_28 = arith.muli %scan3A_25, %mul3A_27 : i32
      %swap3A = arith.index_cast %mul3A_28 : i32 to index
      %swap3A_29 = tpu.vector_load %arg5[%swap3A] {strides = array<i32>} : memref<640xf32, #tpu.memory_space<vmem>>, vector<16xf32>,
      %swap3A_30 = vector.shape_cast %swap3A_29 : vector<16xf32> to vector<16xf32>
      %swap3A_31 = vector.shape_cast %broadcast_in_dim3A_26 : vector<16xf32> to vector<16xf32>
      tpu.vector_store %arg5[%swap3A], %swap3A_31 {strides = array<i32>} : memref<640xf32, #tpu.memory_space<vmem>>, vector<16xf32>,
    }
    %scan3A_5 = arith.constant 40 : i32
    %scan3A_6 = arith.constant 0 : i32
    %scan3A_7 = arith.constant 0 : i32
    %scan3A_8 = arith.constant 8 : i32
    %scan3A_9 = arith.addi %scan3A_7, %scan3A_8 : i32
    %scan3A_10 = arith.constant 1 : i32
    scf.for %scan3A_25 = %scan3A_7 to %scan3A_9 step %scan3A_10  : i32 {
      %broadcast_in_dim3A = arith.constant 1.000000e+00 : f32
      %broadcast_in_dim3A_26 = vector.broadcast %broadcast_in_dim3A : f32 to vector<16xf32>
      %mul3A_27 = arith.constant 16 : i32
      %mul3A_28 = arith.muli %scan3A_25, %mul3A_27 : i32
      %swap3A = arith.index_cast %mul3A_28 : i32 to index
      %swap3A_29 = tpu.vector_load %arg6[%swap3A] {strides = array<i32>} : memref<128xf32, #tpu.memory_space<vmem>>, vector<16xf32>,
      %swap3A_30 = vector.shape_cast %swap3A_29 : vector<16xf32> to vector<16xf32>
      %swap3A_31 = vector.shape_cast %broadcast_in_dim3A_26 : vector<16xf32> to vector<16xf32>
      tpu.vector_store %arg6[%swap3A], %swap3A_31 {strides = array<i32>} : memref<128xf32, #tpu.memory_space<vmem>>, vector<16xf32>,
    }
    %scan3A_11 = arith.constant 8 : i32
    %mul3A_12 = arith.constant 640 : i32
    %mul3A_13 = arith.muli %arg1, %mul3A_12 : i32
    "tpu.region"() ({
      %run_scoped3A = tpu.sem_alloc : memref<!tpu.dma_semaphore, #tpu.memory_space<semaphore_mem>>
      %dma_start3A = tpu.memref_slice %arg7[%mul3A_13] : memref<10240xf32, #tpu.memory_space<vmem_shared>> -> memref<640xf32, #tpu.memory_space<vmem_shared>>
      %dma_start3A_25 = tpu.memref_slice %arg7[%mul3A_13] : memref<10240xf32, #tpu.memory_space<vmem_shared>> -> memref<640xf32, #tpu.memory_space<vmem_shared>>
      tpu.enqueue_dma source(%arg5 : memref<640xf32, #tpu.memory_space<vmem>>) target(%dma_start3A_25 : memref<640xf32, #tpu.memory_space<vmem_shared>>) target_semaphore(%run_scoped3A : memref<!tpu.dma_semaphore, #tpu.memory_space<semaphore_mem>>)
      %dma_wait3A = tpu.memref_slice %arg7[%mul3A_13] : memref<10240xf32, #tpu.memory_space<vmem_shared>> -> memref<640xf32, #tpu.memory_space<vmem_shared>>
      %dma_wait3A_26 = tpu.memref_slice %arg7[%mul3A_13] : memref<10240xf32, #tpu.memory_space<vmem_shared>> -> memref<640xf32, #tpu.memory_space<vmem_shared>>
      tpu.wait_dma2 semaphore(%run_scoped3A : memref<!tpu.dma_semaphore, #tpu.memory_space<semaphore_mem>>) src(%arg5 : memref<640xf32, #tpu.memory_space<vmem>>) dst(%dma_wait3A_26 : memref<640xf32, #tpu.memory_space<vmem_shared>>)
      tpu.yield
    }) : () -> ()
    "tpu.region"() ({
      %run_scoped3A = tpu.sem_alloc : memref<!tpu.dma_semaphore, #tpu.memory_space<semaphore_mem>>
      %dma_start3A = arith.constant 0 : i32
      %dma_start3A_25 = arith.constant 0 : i32
      %dma_start3A_26 = tpu.memref_slice %arg2[%add3A, %dma_start3A, %dma_start3A_25] : memref<32x80x128xi32, #tpu.memory_space<hbm>> -> memref<1x80x128xi32, #tpu.memory_space<hbm>>
      %dma_start3A_27 = tpu.memref_squeeze %dma_start3A_26 : memref<1x80x128xi32, #tpu.memory_space<hbm>> -> memref<80x128xi32, #tpu.memory_space<hbm>>
      %dma_start3A_28 = arith.constant 0 : i32
      %dma_start3A_29 = arith.constant 0 : i32
      %dma_start3A_30 = tpu.memref_slice %arg2[%add3A, %dma_start3A_28, %dma_start3A_29] : memref<32x80x128xi32, #tpu.memory_space<hbm>> -> memref<1x80x128xi32, #tpu.memory_space<hbm>>
      %dma_start3A_31 = tpu.memref_squeeze %dma_start3A_30 : memref<1x80x128xi32, #tpu.memory_space<hbm>> -> memref<80x128xi32, #tpu.memory_space<hbm>>
      tpu.enqueue_dma source(%dma_start3A_31 : memref<80x128xi32, #tpu.memory_space<hbm>>) target(%arg4 : memref<80x128xi32, #tpu.memory_space<vmem>>) target_semaphore(%run_scoped3A : memref<!tpu.dma_semaphore, #tpu.memory_space<semaphore_mem>>)
      %dma_wait3A = arith.constant 0 : i32
      %dma_wait3A_32 = arith.constant 0 : i32
      %dma_wait3A_33 = tpu.memref_slice %arg2[%add3A, %dma_wait3A, %dma_wait3A_32] : memref<32x80x128xi32, #tpu.memory_space<hbm>> -> memref<1x80x128xi32, #tpu.memory_space<hbm>>
      %dma_wait3A_34 = tpu.memref_squeeze %dma_wait3A_33 : memref<1x80x128xi32, #tpu.memory_space<hbm>> -> memref<80x128xi32, #tpu.memory_space<hbm>>
      %dma_wait3A_35 = arith.constant 0 : i32
      %dma_wait3A_36 = arith.constant 0 : i32
      %dma_wait3A_37 = tpu.memref_slice %arg2[%add3A, %dma_wait3A_35, %dma_wait3A_36] : memref<32x80x128xi32, #tpu.memory_space<hbm>> -> memref<1x80x128xi32, #tpu.memory_space<hbm>>
      %dma_wait3A_38 = tpu.memref_squeeze %dma_wait3A_37 : memref<1x80x128xi32, #tpu.memory_space<hbm>> -> memref<80x128xi32, #tpu.memory_space<hbm>>
      tpu.wait_dma2 semaphore(%run_scoped3A : memref<!tpu.dma_semaphore, #tpu.memory_space<semaphore_mem>>) src(%dma_wait3A_38 : memref<80x128xi32, #tpu.memory_space<hbm>>) dst(%arg4 : memref<80x128xi32, #tpu.memory_space<vmem>>)
      tpu.yield
    }) : () -> ()
    %barrier3A = arith.constant 0 : index
    tpu.barrier barrier_id(%barrier3A)
    %scan3A_14 = arith.constant 0 : i32
    %scan3A_15 = arith.constant 0 : i32
    %scan3A_16 = arith.constant 80 : i32
    %scan3A_17 = arith.addi %scan3A_15, %scan3A_16 : i32
    %scan3A_18 = arith.constant 1 : i32
    scf.for %scan3A_25 = %scan3A_15 to %scan3A_17 step %scan3A_18  : i32 {
      "tpu.region"() ({
        %run_scoped3A = tpu.sem_alloc : memref<!tpu.dma_semaphore, #tpu.memory_space<semaphore_mem>>
        %dma_start3A = arith.constant 0 : i32
        %dma_start3A_26 = tpu.memref_slice %arg4[%scan3A_25, %dma_start3A] : memref<80x128xi32, #tpu.memory_space<vmem>> -> memref<1x128xi32, #tpu.memory_space<vmem>>
        %dma_start3A_27 = tpu.memref_squeeze %dma_start3A_26 : memref<1x128xi32, #tpu.memory_space<vmem>> -> memref<128xi32, #tpu.memory_space<vmem>>
        %dma_start3A_28 = arith.constant 0 : i32
        %dma_start3A_29 = tpu.memref_slice %arg7[%dma_start3A_28] : memref<10240xf32, #tpu.memory_space<vmem_shared>> -> memref<10240xf32, #tpu.memory_space<vmem_shared>>
        tpu.enqueue_indirect_dma source(%arg6 : memref<128xf32, #tpu.memory_space<vmem>>) target(%dma_start3A_29 : memref<10240xf32, #tpu.memory_space<vmem_shared>>) offsets(%dma_start3A_27 : memref<128xi32, #tpu.memory_space<vmem>>) semaphore(%run_scoped3A : memref<!tpu.dma_semaphore, #tpu.memory_space<semaphore_mem>>) {add = true}
        %dma_wait3A = arith.constant 0 : i32
        %dma_wait3A_30 = tpu.memref_slice %arg4[%scan3A_25, %dma_wait3A] : memref<80x128xi32, #tpu.memory_space<vmem>> -> memref<1x128xi32, #tpu.memory_space<vmem>>
        %dma_wait3A_31 = tpu.memref_squeeze %dma_wait3A_30 : memref<1x128xi32, #tpu.memory_space<vmem>> -> memref<128xi32, #tpu.memory_space<vmem>>
        %dma_wait3A_32 = arith.constant 0 : i32
        %dma_wait3A_33 = tpu.memref_slice %arg7[%dma_wait3A_32] : memref<10240xf32, #tpu.memory_space<vmem_shared>> -> memref<10240xf32, #tpu.memory_space<vmem_shared>>
        tpu.wait_indirect_dma semaphore(%run_scoped3A : memref<!tpu.dma_semaphore, #tpu.memory_space<semaphore_mem>>) src(%arg6 : memref<128xf32, #tpu.memory_space<vmem>>) dst(%dma_wait3A_33 : memref<10240xf32, #tpu.memory_space<vmem_shared>>)
        tpu.yield
      }) : () -> ()
    }
    %scan3A_19 = arith.constant 80 : i32
    %barrier3A_20 = arith.constant 0 : index
    tpu.barrier barrier_id(%barrier3A_20)
    %mul3A_21 = arith.constant 640 : i32
    %mul3A_22 = arith.muli %arg1, %mul3A_21 : i32
    %mul3A_23 = arith.constant 640 : i32
    %mul3A_24 = arith.muli %arg1, %mul3A_23 : i32
    "tpu.region"() ({
      %run_scoped3A = tpu.sem_alloc : memref<!tpu.dma_semaphore, #tpu.memory_space<semaphore_mem>>
      %dma_start3A = tpu.memref_slice %arg3[%arg0, %mul3A_24] : memref<2x10240xf32, #tpu.memory_space<hbm>> -> memref<1x640xf32, #tpu.memory_space<hbm>>
      %dma_start3A_25 = tpu.memref_squeeze %dma_start3A : memref<1x640xf32, #tpu.memory_space<hbm>> -> memref<640xf32, #tpu.memory_space<hbm>>
      %dma_start3A_26 = tpu.memref_slice %arg7[%mul3A_22] : memref<10240xf32, #tpu.memory_space<vmem_shared>> -> memref<640xf32, #tpu.memory_space<vmem_shared>>
      tpu.enqueue_dma source(%dma_start3A_26 : memref<640xf32, #tpu.memory_space<vmem_shared>>) target(%dma_start3A_25 : memref<640xf32, #tpu.memory_space<hbm>>) target_semaphore(%run_scoped3A : memref<!tpu.dma_semaphore, #tpu.memory_space<semaphore_mem>>)
      %dma_wait3A = tpu.memref_slice %arg3[%arg0, %mul3A_24] : memref<2x10240xf32, #tpu.memory_space<hbm>> -> memref<1x640xf32, #tpu.memory_space<hbm>>
      %dma_wait3A_27 = tpu.memref_squeeze %dma_wait3A : memref<1x640xf32, #tpu.memory_space<hbm>> -> memref<640xf32, #tpu.memory_space<hbm>>
      %dma_wait3A_28 = tpu.memref_slice %arg7[%mul3A_22] : memref<10240xf32, #tpu.memory_space<vmem_shared>> -> memref<640xf32, #tpu.memory_space<vmem_shared>>
      tpu.wait_dma2 semaphore(%run_scoped3A : memref<!tpu.dma_semaphore, #tpu.memory_space<semaphore_mem>>) src(%dma_wait3A_28 : memref<640xf32, #tpu.memory_space<vmem_shared>>) dst(%dma_wait3A_27 : memref<640xf32, #tpu.memory_space<hbm>>)
      tpu.yield
    }) : () -> ()
    return
  }
}

#map = affine_map<(d0, d1) -> (0, 0)>
#map1 = affine_map<(d0, d1) -> (0, 0, 0, 0, 0)>
#map2 = affine_map<(d0, d1) -> (0, 0, 0, 0)>
#map3 = affine_map<(d0, d1) -> (0, 0, 0)>
module attributes {stable_mosaic.version = 14 : i64} {
  func.func @_layer_kernel(%arg0: i32, %arg1: i32, %arg2: memref<20480x128xf32, #tpu.memory_space<hbm>>, %arg3: memref<2x16x4x40x128xi32, #tpu.memory_space<hbm>>, %arg4: memref<16x4x40x128xi32, #tpu.memory_space<hbm>>, %arg5: memref<2x10240x128xf32, #tpu.memory_space<hbm>>, %arg6: memref<40x128xi32, #tpu.memory_space<vmem>>, %arg7: memref<40x128xi32, #tpu.memory_space<vmem>>, %arg8: memref<128x128xf32, #tpu.memory_space<vmem>>, %arg9: memref<128x128xf32, #tpu.memory_space<vmem>>, %arg10: memref<10240x128xf32, #tpu.memory_space<vmem_shared>>, %arg11: memref<!tpu.dma_semaphore, #tpu.memory_space<semaphore_mem>>, %arg12: memref<!tpu.dma_semaphore, #tpu.memory_space<semaphore_mem>>) attributes {dimension_semantics = [#tpu.dimension_semantics<core_parallel>, #tpu.dimension_semantics<subcore_parallel>], iteration_bounds = array<i64: 2, 16>, scalar_prefetch = 0 : i64, scratch_operands = 7 : i64, tpu.core_type = #tpu.core_type<sc_vector_subcore>, window_params = [{transform_indices = #map}, {transform_indices = #map1}, {transform_indices = #map2}, {transform_indices = #map3}]} {
    %mul3A = arith.constant 10240 : i32
    %mul3A_0 = arith.muli %arg0, %mul3A : i32
    %mul3A_1 = arith.constant 640 : i32
    %mul3A_2 = arith.muli %arg1, %mul3A_1 : i32
    %add3A = arith.addi %mul3A_0, %mul3A_2 : i32
    %mul3A_3 = arith.constant 640 : i32
    %mul3A_4 = arith.muli %arg1, %mul3A_3 : i32
    "tpu.region"() ({
      %run_scoped3A = tpu.sem_alloc : memref<!tpu.dma_semaphore, #tpu.memory_space<semaphore_mem>>
      %dma_start3A = arith.constant 0 : i32
      %dma_start3A_15 = tpu.memref_slice %arg10[%mul3A_4, %dma_start3A] : memref<10240x128xf32, #tpu.memory_space<vmem_shared>> -> memref<640x128xf32, #tpu.memory_space<vmem_shared>>
      %dma_start3A_16 = arith.constant 0 : i32
      %dma_start3A_17 = tpu.memref_slice %arg2[%add3A, %dma_start3A_16] : memref<20480x128xf32, #tpu.memory_space<hbm>> -> memref<640x128xf32, #tpu.memory_space<hbm>>
      tpu.enqueue_dma source(%dma_start3A_17 : memref<640x128xf32, #tpu.memory_space<hbm>>) target(%dma_start3A_15 : memref<640x128xf32, #tpu.memory_space<vmem_shared>>) target_semaphore(%run_scoped3A : memref<!tpu.dma_semaphore, #tpu.memory_space<semaphore_mem>>)
      %dma_wait3A = arith.constant 0 : i32
      %dma_wait3A_18 = tpu.memref_slice %arg10[%mul3A_4, %dma_wait3A] : memref<10240x128xf32, #tpu.memory_space<vmem_shared>> -> memref<640x128xf32, #tpu.memory_space<vmem_shared>>
      %dma_wait3A_19 = arith.constant 0 : i32
      %dma_wait3A_20 = tpu.memref_slice %arg2[%add3A, %dma_wait3A_19] : memref<20480x128xf32, #tpu.memory_space<hbm>> -> memref<640x128xf32, #tpu.memory_space<hbm>>
      tpu.wait_dma2 semaphore(%run_scoped3A : memref<!tpu.dma_semaphore, #tpu.memory_space<semaphore_mem>>) src(%dma_wait3A_20 : memref<640x128xf32, #tpu.memory_space<hbm>>) dst(%dma_wait3A_18 : memref<640x128xf32, #tpu.memory_space<vmem_shared>>)
      tpu.yield
    }) : () -> ()
    %barrier3A = arith.constant 0 : index
    tpu.barrier barrier_id(%barrier3A)
    %scan3A = arith.constant 0 : i32
    %scan3A_5 = arith.constant 0 : i32
    %scan3A_6 = arith.constant 4 : i32
    %scan3A_7 = arith.addi %scan3A_5, %scan3A_6 : i32
    %scan3A_8 = arith.constant 1 : i32
    scf.for %scan3A_15 = %scan3A_5 to %scan3A_7 step %scan3A_8  : i32 {
      "tpu.region"() ({
        %run_scoped3A = tpu.sem_alloc : memref<!tpu.dma_semaphore, #tpu.memory_space<semaphore_mem>>
        %dma_start3A_35 = arith.constant 0 : i32
        %dma_start3A_36 = arith.constant 0 : i32
        %dma_start3A_37 = tpu.memref_slice %arg3[%arg0, %arg1, %scan3A_15, %dma_start3A_35, %dma_start3A_36] : memref<2x16x4x40x128xi32, #tpu.memory_space<hbm>> -> memref<1x1x1x40x128xi32, #tpu.memory_space<hbm>>
        %dma_start3A_38 = tpu.memref_squeeze %dma_start3A_37 : memref<1x1x1x40x128xi32, #tpu.memory_space<hbm>> -> memref<40x128xi32, #tpu.memory_space<hbm>>
        %dma_start3A_39 = arith.constant 0 : i32
        %dma_start3A_40 = arith.constant 0 : i32
        %dma_start3A_41 = tpu.memref_slice %arg3[%arg0, %arg1, %scan3A_15, %dma_start3A_39, %dma_start3A_40] : memref<2x16x4x40x128xi32, #tpu.memory_space<hbm>> -> memref<1x1x1x40x128xi32, #tpu.memory_space<hbm>>
        %dma_start3A_42 = tpu.memref_squeeze %dma_start3A_41 : memref<1x1x1x40x128xi32, #tpu.memory_space<hbm>> -> memref<40x128xi32, #tpu.memory_space<hbm>>
        tpu.enqueue_dma source(%dma_start3A_42 : memref<40x128xi32, #tpu.memory_space<hbm>>) target(%arg6 : memref<40x128xi32, #tpu.memory_space<vmem>>) target_semaphore(%run_scoped3A : memref<!tpu.dma_semaphore, #tpu.memory_space<semaphore_mem>>)
        %dma_wait3A = arith.constant 0 : i32
        %dma_wait3A_43 = arith.constant 0 : i32
        %dma_wait3A_44 = tpu.memref_slice %arg3[%arg0, %arg1, %scan3A_15, %dma_wait3A, %dma_wait3A_43] : memref<2x16x4x40x128xi32, #tpu.memory_space<hbm>> -> memref<1x1x1x40x128xi32, #tpu.memory_space<hbm>>
        %dma_wait3A_45 = tpu.memref_squeeze %dma_wait3A_44 : memref<1x1x1x40x128xi32, #tpu.memory_space<hbm>> -> memref<40x128xi32, #tpu.memory_space<hbm>>
        %dma_wait3A_46 = arith.constant 0 : i32
        %dma_wait3A_47 = arith.constant 0 : i32
        %dma_wait3A_48 = tpu.memref_slice %arg3[%arg0, %arg1, %scan3A_15, %dma_wait3A_46, %dma_wait3A_47] : memref<2x16x4x40x128xi32, #tpu.memory_space<hbm>> -> memref<1x1x1x40x128xi32, #tpu.memory_space<hbm>>
        %dma_wait3A_49 = tpu.memref_squeeze %dma_wait3A_48 : memref<1x1x1x40x128xi32, #tpu.memory_space<hbm>> -> memref<40x128xi32, #tpu.memory_space<hbm>>
        tpu.wait_dma2 semaphore(%run_scoped3A : memref<!tpu.dma_semaphore, #tpu.memory_space<semaphore_mem>>) src(%dma_wait3A_49 : memref<40x128xi32, #tpu.memory_space<hbm>>) dst(%arg6 : memref<40x128xi32, #tpu.memory_space<vmem>>)
        tpu.yield
      }) : () -> ()
      "tpu.region"() ({
        %run_scoped3A = tpu.sem_alloc : memref<!tpu.dma_semaphore, #tpu.memory_space<semaphore_mem>>
        %dma_start3A_35 = arith.constant 0 : i32
        %dma_start3A_36 = arith.constant 0 : i32
        %dma_start3A_37 = tpu.memref_slice %arg4[%arg1, %scan3A_15, %dma_start3A_35, %dma_start3A_36] : memref<16x4x40x128xi32, #tpu.memory_space<hbm>> -> memref<1x1x40x128xi32, #tpu.memory_space<hbm>>
        %dma_start3A_38 = tpu.memref_squeeze %dma_start3A_37 : memref<1x1x40x128xi32, #tpu.memory_space<hbm>> -> memref<40x128xi32, #tpu.memory_space<hbm>>
        %dma_start3A_39 = arith.constant 0 : i32
        %dma_start3A_40 = arith.constant 0 : i32
        %dma_start3A_41 = tpu.memref_slice %arg4[%arg1, %scan3A_15, %dma_start3A_39, %dma_start3A_40] : memref<16x4x40x128xi32, #tpu.memory_space<hbm>> -> memref<1x1x40x128xi32, #tpu.memory_space<hbm>>
        %dma_start3A_42 = tpu.memref_squeeze %dma_start3A_41 : memref<1x1x40x128xi32, #tpu.memory_space<hbm>> -> memref<40x128xi32, #tpu.memory_space<hbm>>
        tpu.enqueue_dma source(%dma_start3A_42 : memref<40x128xi32, #tpu.memory_space<hbm>>) target(%arg7 : memref<40x128xi32, #tpu.memory_space<vmem>>) target_semaphore(%run_scoped3A : memref<!tpu.dma_semaphore, #tpu.memory_space<semaphore_mem>>)
        %dma_wait3A = arith.constant 0 : i32
        %dma_wait3A_43 = arith.constant 0 : i32
        %dma_wait3A_44 = tpu.memref_slice %arg4[%arg1, %scan3A_15, %dma_wait3A, %dma_wait3A_43] : memref<16x4x40x128xi32, #tpu.memory_space<hbm>> -> memref<1x1x40x128xi32, #tpu.memory_space<hbm>>
        %dma_wait3A_45 = tpu.memref_squeeze %dma_wait3A_44 : memref<1x1x40x128xi32, #tpu.memory_space<hbm>> -> memref<40x128xi32, #tpu.memory_space<hbm>>
        %dma_wait3A_46 = arith.constant 0 : i32
        %dma_wait3A_47 = arith.constant 0 : i32
        %dma_wait3A_48 = tpu.memref_slice %arg4[%arg1, %scan3A_15, %dma_wait3A_46, %dma_wait3A_47] : memref<16x4x40x128xi32, #tpu.memory_space<hbm>> -> memref<1x1x40x128xi32, #tpu.memory_space<hbm>>
        %dma_wait3A_49 = tpu.memref_squeeze %dma_wait3A_48 : memref<1x1x40x128xi32, #tpu.memory_space<hbm>> -> memref<40x128xi32, #tpu.memory_space<hbm>>
        tpu.wait_dma2 semaphore(%run_scoped3A : memref<!tpu.dma_semaphore, #tpu.memory_space<semaphore_mem>>) src(%dma_wait3A_49 : memref<40x128xi32, #tpu.memory_space<hbm>>) dst(%arg7 : memref<40x128xi32, #tpu.memory_space<vmem>>)
        tpu.yield
      }) : () -> ()
      %dma_start3A = arith.constant 0 : i32
      %dma_start3A_16 = arith.constant 0 : i32
      %dma_start3A_17 = tpu.memref_slice %arg6[%dma_start3A, %dma_start3A_16] : memref<40x128xi32, #tpu.memory_space<vmem>> -> memref<1x128xi32, #tpu.memory_space<vmem>>
      %dma_start3A_18 = tpu.memref_squeeze %dma_start3A_17 : memref<1x128xi32, #tpu.memory_space<vmem>> -> memref<128xi32, #tpu.memory_space<vmem>>
      %dma_start3A_19 = arith.constant 0 : i32
      %dma_start3A_20 = arith.constant 0 : i32
      %dma_start3A_21 = tpu.memref_slice %arg2[%dma_start3A_19, %dma_start3A_20] : memref<20480x128xf32, #tpu.memory_space<hbm>> -> memref<20480x128xf32, #tpu.memory_space<hbm>>
      tpu.enqueue_indirect_dma source(%dma_start3A_21 : memref<20480x128xf32, #tpu.memory_space<hbm>>) target(%arg8 : memref<128x128xf32, #tpu.memory_space<vmem>>) offsets(%dma_start3A_18 : memref<128xi32, #tpu.memory_space<vmem>>) semaphore(%arg11 : memref<!tpu.dma_semaphore, #tpu.memory_space<semaphore_mem>>)
      %dma_start3A_22 = arith.constant 1 : i32
      %dma_start3A_23 = arith.constant 0 : i32
      %dma_start3A_24 = tpu.memref_slice %arg6[%dma_start3A_22, %dma_start3A_23] : memref<40x128xi32, #tpu.memory_space<vmem>> -> memref<1x128xi32, #tpu.memory_space<vmem>>
      %dma_start3A_25 = tpu.memref_squeeze %dma_start3A_24 : memref<1x128xi32, #tpu.memory_space<vmem>> -> memref<128xi32, #tpu.memory_space<vmem>>
      %dma_start3A_26 = arith.constant 0 : i32
      %dma_start3A_27 = arith.constant 0 : i32
      %dma_start3A_28 = tpu.memref_slice %arg2[%dma_start3A_26, %dma_start3A_27] : memref<20480x128xf32, #tpu.memory_space<hbm>> -> memref<20480x128xf32, #tpu.memory_space<hbm>>
      tpu.enqueue_indirect_dma source(%dma_start3A_28 : memref<20480x128xf32, #tpu.memory_space<hbm>>) target(%arg9 : memref<128x128xf32, #tpu.memory_space<vmem>>) offsets(%dma_start3A_25 : memref<128xi32, #tpu.memory_space<vmem>>) semaphore(%arg12 : memref<!tpu.dma_semaphore, #tpu.memory_space<semaphore_mem>>)
      %scan3A_29 = arith.constant 0 : i32
      %scan3A_30 = arith.constant 0 : i32
      %scan3A_31 = arith.constant 20 : i32
      %scan3A_32 = arith.addi %scan3A_30, %scan3A_31 : i32
      %scan3A_33 = arith.constant 1 : i32
      scf.for %scan3A_35 = %scan3A_30 to %scan3A_32 step %scan3A_33  : i32 {
        %mul3A_36 = arith.constant 2 : i32
        %mul3A_37 = arith.muli %mul3A_36, %scan3A_35 : i32
        %dma_wait3A = arith.constant 0 : i32
        %dma_wait3A_38 = tpu.memref_slice %arg6[%mul3A_37, %dma_wait3A] : memref<40x128xi32, #tpu.memory_space<vmem>> -> memref<1x128xi32, #tpu.memory_space<vmem>>
        %dma_wait3A_39 = tpu.memref_squeeze %dma_wait3A_38 : memref<1x128xi32, #tpu.memory_space<vmem>> -> memref<128xi32, #tpu.memory_space<vmem>>
        %dma_wait3A_40 = arith.constant 0 : i32
        %dma_wait3A_41 = arith.constant 0 : i32
        %dma_wait3A_42 = tpu.memref_slice %arg2[%dma_wait3A_40, %dma_wait3A_41] : memref<20480x128xf32, #tpu.memory_space<hbm>> -> memref<20480x128xf32, #tpu.memory_space<hbm>>
        tpu.wait_indirect_dma semaphore(%arg11 : memref<!tpu.dma_semaphore, #tpu.memory_space<semaphore_mem>>) src(%dma_wait3A_42 : memref<20480x128xf32, #tpu.memory_space<hbm>>) dst(%arg8 : memref<128x128xf32, #tpu.memory_space<vmem>>)
        "tpu.region"() ({
          %run_scoped3A = tpu.sem_alloc : memref<!tpu.dma_semaphore, #tpu.memory_space<semaphore_mem>>
          %dma_start3A_64 = arith.constant 0 : i32
          %dma_start3A_65 = tpu.memref_slice %arg7[%mul3A_37, %dma_start3A_64] : memref<40x128xi32, #tpu.memory_space<vmem>> -> memref<1x128xi32, #tpu.memory_space<vmem>>
          %dma_start3A_66 = tpu.memref_squeeze %dma_start3A_65 : memref<1x128xi32, #tpu.memory_space<vmem>> -> memref<128xi32, #tpu.memory_space<vmem>>
          %dma_start3A_67 = arith.constant 0 : i32
          %dma_start3A_68 = arith.constant 0 : i32
          %dma_start3A_69 = tpu.memref_slice %arg10[%dma_start3A_67, %dma_start3A_68] : memref<10240x128xf32, #tpu.memory_space<vmem_shared>> -> memref<10240x128xf32, #tpu.memory_space<vmem_shared>>
          tpu.enqueue_indirect_dma source(%arg8 : memref<128x128xf32, #tpu.memory_space<vmem>>) target(%dma_start3A_69 : memref<10240x128xf32, #tpu.memory_space<vmem_shared>>) offsets(%dma_start3A_66 : memref<128xi32, #tpu.memory_space<vmem>>) semaphore(%run_scoped3A : memref<!tpu.dma_semaphore, #tpu.memory_space<semaphore_mem>>) {add = true}
          %dma_wait3A_70 = arith.constant 0 : i32
          %dma_wait3A_71 = tpu.memref_slice %arg7[%mul3A_37, %dma_wait3A_70] : memref<40x128xi32, #tpu.memory_space<vmem>> -> memref<1x128xi32, #tpu.memory_space<vmem>>
          %dma_wait3A_72 = tpu.memref_squeeze %dma_wait3A_71 : memref<1x128xi32, #tpu.memory_space<vmem>> -> memref<128xi32, #tpu.memory_space<vmem>>
          %dma_wait3A_73 = arith.constant 0 : i32
          %dma_wait3A_74 = arith.constant 0 : i32
          %dma_wait3A_75 = tpu.memref_slice %arg10[%dma_wait3A_73, %dma_wait3A_74] : memref<10240x128xf32, #tpu.memory_space<vmem_shared>> -> memref<10240x128xf32, #tpu.memory_space<vmem_shared>>
          tpu.wait_indirect_dma semaphore(%run_scoped3A : memref<!tpu.dma_semaphore, #tpu.memory_space<semaphore_mem>>) src(%arg8 : memref<128x128xf32, #tpu.memory_space<vmem>>) dst(%dma_wait3A_75 : memref<10240x128xf32, #tpu.memory_space<vmem_shared>>)
          tpu.yield
        }) : () -> ()
        %add3A_43 = arith.constant 2 : i32
        %add3A_44 = arith.addi %mul3A_37, %add3A_43 : i32
        %lt3A = arith.constant 40 : i32
        %lt3A_45 = arith.cmpi slt, %add3A_44, %lt3A : i32
        %convert_element_type3A = arith.extui %lt3A_45 : i1 to i32
        %cond3A = arith.constant 0 : i32
        %cond3A_46 = arith.cmpi ne, %convert_element_type3A, %cond3A : i32
        scf.if %cond3A_46 {
          %add3A_64 = arith.constant 2 : i32
          %add3A_65 = arith.addi %mul3A_37, %add3A_64 : i32
          %dma_start3A_66 = arith.constant 0 : i32
          %dma_start3A_67 = tpu.memref_slice %arg6[%add3A_65, %dma_start3A_66] : memref<40x128xi32, #tpu.memory_space<vmem>> -> memref<1x128xi32, #tpu.memory_space<vmem>>
          %dma_start3A_68 = tpu.memref_squeeze %dma_start3A_67 : memref<1x128xi32, #tpu.memory_space<vmem>> -> memref<128xi32, #tpu.memory_space<vmem>>
          %dma_start3A_69 = arith.constant 0 : i32
          %dma_start3A_70 = arith.constant 0 : i32
          %dma_start3A_71 = tpu.memref_slice %arg2[%dma_start3A_69, %dma_start3A_70] : memref<20480x128xf32, #tpu.memory_space<hbm>> -> memref<20480x128xf32, #tpu.memory_space<hbm>>
          tpu.enqueue_indirect_dma source(%dma_start3A_71 : memref<20480x128xf32, #tpu.memory_space<hbm>>) target(%arg8 : memref<128x128xf32, #tpu.memory_space<vmem>>) offsets(%dma_start3A_68 : memref<128xi32, #tpu.memory_space<vmem>>) semaphore(%arg11 : memref<!tpu.dma_semaphore, #tpu.memory_space<semaphore_mem>>)
        } else {
        }
        %add3A_47 = arith.constant 1 : i32
        %add3A_48 = arith.addi %mul3A_37, %add3A_47 : i32
        %dma_wait3A_49 = arith.constant 0 : i32
        %dma_wait3A_50 = tpu.memref_slice %arg6[%add3A_48, %dma_wait3A_49] : memref<40x128xi32, #tpu.memory_space<vmem>> -> memref<1x128xi32, #tpu.memory_space<vmem>>
        %dma_wait3A_51 = tpu.memref_squeeze %dma_wait3A_50 : memref<1x128xi32, #tpu.memory_space<vmem>> -> memref<128xi32, #tpu.memory_space<vmem>>
        %dma_wait3A_52 = arith.constant 0 : i32
        %dma_wait3A_53 = arith.constant 0 : i32
        %dma_wait3A_54 = tpu.memref_slice %arg2[%dma_wait3A_52, %dma_wait3A_53] : memref<20480x128xf32, #tpu.memory_space<hbm>> -> memref<20480x128xf32, #tpu.memory_space<hbm>>
        tpu.wait_indirect_dma semaphore(%arg12 : memref<!tpu.dma_semaphore, #tpu.memory_space<semaphore_mem>>) src(%dma_wait3A_54 : memref<20480x128xf32, #tpu.memory_space<hbm>>) dst(%arg9 : memref<128x128xf32, #tpu.memory_space<vmem>>)
        %add3A_55 = arith.constant 1 : i32
        %add3A_56 = arith.addi %mul3A_37, %add3A_55 : i32
        "tpu.region"() ({
          %run_scoped3A = tpu.sem_alloc : memref<!tpu.dma_semaphore, #tpu.memory_space<semaphore_mem>>
          %dma_start3A_64 = arith.constant 0 : i32
          %dma_start3A_65 = tpu.memref_slice %arg7[%add3A_56, %dma_start3A_64] : memref<40x128xi32, #tpu.memory_space<vmem>> -> memref<1x128xi32, #tpu.memory_space<vmem>>
          %dma_start3A_66 = tpu.memref_squeeze %dma_start3A_65 : memref<1x128xi32, #tpu.memory_space<vmem>> -> memref<128xi32, #tpu.memory_space<vmem>>
          %dma_start3A_67 = arith.constant 0 : i32
          %dma_start3A_68 = arith.constant 0 : i32
          %dma_start3A_69 = tpu.memref_slice %arg10[%dma_start3A_67, %dma_start3A_68] : memref<10240x128xf32, #tpu.memory_space<vmem_shared>> -> memref<10240x128xf32, #tpu.memory_space<vmem_shared>>
          tpu.enqueue_indirect_dma source(%arg9 : memref<128x128xf32, #tpu.memory_space<vmem>>) target(%dma_start3A_69 : memref<10240x128xf32, #tpu.memory_space<vmem_shared>>) offsets(%dma_start3A_66 : memref<128xi32, #tpu.memory_space<vmem>>) semaphore(%run_scoped3A : memref<!tpu.dma_semaphore, #tpu.memory_space<semaphore_mem>>) {add = true}
          %dma_wait3A_70 = arith.constant 0 : i32
          %dma_wait3A_71 = tpu.memref_slice %arg7[%add3A_56, %dma_wait3A_70] : memref<40x128xi32, #tpu.memory_space<vmem>> -> memref<1x128xi32, #tpu.memory_space<vmem>>
          %dma_wait3A_72 = tpu.memref_squeeze %dma_wait3A_71 : memref<1x128xi32, #tpu.memory_space<vmem>> -> memref<128xi32, #tpu.memory_space<vmem>>
          %dma_wait3A_73 = arith.constant 0 : i32
          %dma_wait3A_74 = arith.constant 0 : i32
          %dma_wait3A_75 = tpu.memref_slice %arg10[%dma_wait3A_73, %dma_wait3A_74] : memref<10240x128xf32, #tpu.memory_space<vmem_shared>> -> memref<10240x128xf32, #tpu.memory_space<vmem_shared>>
          tpu.wait_indirect_dma semaphore(%run_scoped3A : memref<!tpu.dma_semaphore, #tpu.memory_space<semaphore_mem>>) src(%arg9 : memref<128x128xf32, #tpu.memory_space<vmem>>) dst(%dma_wait3A_75 : memref<10240x128xf32, #tpu.memory_space<vmem_shared>>)
          tpu.yield
        }) : () -> ()
        %add3A_57 = arith.constant 3 : i32
        %add3A_58 = arith.addi %mul3A_37, %add3A_57 : i32
        %lt3A_59 = arith.constant 40 : i32
        %lt3A_60 = arith.cmpi slt, %add3A_58, %lt3A_59 : i32
        %convert_element_type3A_61 = arith.extui %lt3A_60 : i1 to i32
        %cond3A_62 = arith.constant 0 : i32
        %cond3A_63 = arith.cmpi ne, %convert_element_type3A_61, %cond3A_62 : i32
        scf.if %cond3A_63 {
          %add3A_64 = arith.constant 3 : i32
          %add3A_65 = arith.addi %mul3A_37, %add3A_64 : i32
          %dma_start3A_66 = arith.constant 0 : i32
          %dma_start3A_67 = tpu.memref_slice %arg6[%add3A_65, %dma_start3A_66] : memref<40x128xi32, #tpu.memory_space<vmem>> -> memref<1x128xi32, #tpu.memory_space<vmem>>
          %dma_start3A_68 = tpu.memref_squeeze %dma_start3A_67 : memref<1x128xi32, #tpu.memory_space<vmem>> -> memref<128xi32, #tpu.memory_space<vmem>>
          %dma_start3A_69 = arith.constant 0 : i32
          %dma_start3A_70 = arith.constant 0 : i32
          %dma_start3A_71 = tpu.memref_slice %arg2[%dma_start3A_69, %dma_start3A_70] : memref<20480x128xf32, #tpu.memory_space<hbm>> -> memref<20480x128xf32, #tpu.memory_space<hbm>>
          tpu.enqueue_indirect_dma source(%dma_start3A_71 : memref<20480x128xf32, #tpu.memory_space<hbm>>) target(%arg9 : memref<128x128xf32, #tpu.memory_space<vmem>>) offsets(%dma_start3A_68 : memref<128xi32, #tpu.memory_space<vmem>>) semaphore(%arg12 : memref<!tpu.dma_semaphore, #tpu.memory_space<semaphore_mem>>)
        } else {
        }
      }
      %scan3A_34 = arith.constant 20 : i32
    }
    %scan3A_9 = arith.constant 4 : i32
    %barrier3A_10 = arith.constant 0 : index
    tpu.barrier barrier_id(%barrier3A_10)
    %mul3A_11 = arith.constant 640 : i32
    %mul3A_12 = arith.muli %arg1, %mul3A_11 : i32
    %mul3A_13 = arith.constant 640 : i32
    %mul3A_14 = arith.muli %arg1, %mul3A_13 : i32
    "tpu.region"() ({
      %run_scoped3A = tpu.sem_alloc : memref<!tpu.dma_semaphore, #tpu.memory_space<semaphore_mem>>
      %dma_start3A = arith.constant 0 : i32
      %dma_start3A_15 = tpu.memref_slice %arg5[%arg0, %mul3A_14, %dma_start3A] : memref<2x10240x128xf32, #tpu.memory_space<hbm>> -> memref<1x640x128xf32, #tpu.memory_space<hbm>>
      %dma_start3A_16 = tpu.memref_squeeze %dma_start3A_15 : memref<1x640x128xf32, #tpu.memory_space<hbm>> -> memref<640x128xf32, #tpu.memory_space<hbm>>
      %dma_start3A_17 = arith.constant 0 : i32
      %dma_start3A_18 = tpu.memref_slice %arg10[%mul3A_12, %dma_start3A_17] : memref<10240x128xf32, #tpu.memory_space<vmem_shared>> -> memref<640x128xf32, #tpu.memory_space<vmem_shared>>
      tpu.enqueue_dma source(%dma_start3A_18 : memref<640x128xf32, #tpu.memory_space<vmem_shared>>) target(%dma_start3A_16 : memref<640x128xf32, #tpu.memory_space<hbm>>) target_semaphore(%run_scoped3A : memref<!tpu.dma_semaphore, #tpu.memory_space<semaphore_mem>>)
      %dma_wait3A = arith.constant 0 : i32
      %dma_wait3A_19 = tpu.memref_slice %arg5[%arg0, %mul3A_14, %dma_wait3A] : memref<2x10240x128xf32, #tpu.memory_space<hbm>> -> memref<1x640x128xf32, #tpu.memory_space<hbm>>
      %dma_wait3A_20 = tpu.memref_squeeze %dma_wait3A_19 : memref<1x640x128xf32, #tpu.memory_space<hbm>> -> memref<640x128xf32, #tpu.memory_space<hbm>>
      %dma_wait3A_21 = arith.constant 0 : i32
      %dma_wait3A_22 = tpu.memref_slice %arg10[%mul3A_12, %dma_wait3A_21] : memref<10240x128xf32, #tpu.memory_space<vmem_shared>> -> memref<640x128xf32, #tpu.memory_space<vmem_shared>>
      tpu.wait_dma2 semaphore(%run_scoped3A : memref<!tpu.dma_semaphore, #tpu.memory_space<semaphore_mem>>) src(%dma_wait3A_22 : memref<640x128xf32, #tpu.memory_space<vmem_shared>>) dst(%dma_wait3A_20 : memref<640x128xf32, #tpu.memory_space<hbm>>)
      tpu.yield
    }) : () -> ()
    return
  }
}

#map = affine_map<(d0, d1) -> (0, 0)>
#map1 = affine_map<(d0, d1) -> (0, 0, 0, 0, 0)>
#map2 = affine_map<(d0, d1) -> (0, 0, 0, 0)>
#map3 = affine_map<(d0, d1) -> (0, 0, 0)>
module attributes {stable_mosaic.version = 14 : i64} {
  func.func @_layer_kernel(%arg0: i32, %arg1: i32, %arg2: memref<20480x128xf32, #tpu.memory_space<hbm>>, %arg3: memref<2x16x4x40x128xi32, #tpu.memory_space<hbm>>, %arg4: memref<16x4x40x128xi32, #tpu.memory_space<hbm>>, %arg5: memref<2x10240x128xf32, #tpu.memory_space<hbm>>, %arg6: memref<40x128xi32, #tpu.memory_space<vmem>>, %arg7: memref<40x128xi32, #tpu.memory_space<vmem>>, %arg8: memref<128x128xf32, #tpu.memory_space<vmem>>, %arg9: memref<128x128xf32, #tpu.memory_space<vmem>>, %arg10: memref<10240x128xf32, #tpu.memory_space<vmem_shared>>, %arg11: memref<!tpu.dma_semaphore, #tpu.memory_space<semaphore_mem>>, %arg12: memref<!tpu.dma_semaphore, #tpu.memory_space<semaphore_mem>>) attributes {dimension_semantics = [#tpu.dimension_semantics<core_parallel>, #tpu.dimension_semantics<subcore_parallel>], iteration_bounds = array<i64: 2, 16>, scalar_prefetch = 0 : i64, scratch_operands = 7 : i64, tpu.core_type = #tpu.core_type<sc_vector_subcore>, window_params = [{transform_indices = #map}, {transform_indices = #map1}, {transform_indices = #map2}, {transform_indices = #map3}]} {
    %mul3A = arith.constant 10240 : i32
    %mul3A_0 = arith.muli %arg0, %mul3A : i32
    %mul3A_1 = arith.constant 640 : i32
    %mul3A_2 = arith.muli %arg1, %mul3A_1 : i32
    %add3A = arith.addi %mul3A_0, %mul3A_2 : i32
    %mul3A_3 = arith.constant 640 : i32
    %mul3A_4 = arith.muli %arg1, %mul3A_3 : i32
    "tpu.region"() ({
      %run_scoped3A = tpu.sem_alloc : memref<!tpu.dma_semaphore, #tpu.memory_space<semaphore_mem>>
      %dma_start3A = arith.constant 0 : i32
      %dma_start3A_15 = tpu.memref_slice %arg10[%mul3A_4, %dma_start3A] : memref<10240x128xf32, #tpu.memory_space<vmem_shared>> -> memref<640x128xf32, #tpu.memory_space<vmem_shared>>
      %dma_start3A_16 = arith.constant 0 : i32
      %dma_start3A_17 = tpu.memref_slice %arg2[%add3A, %dma_start3A_16] : memref<20480x128xf32, #tpu.memory_space<hbm>> -> memref<640x128xf32, #tpu.memory_space<hbm>>
      tpu.enqueue_dma source(%dma_start3A_17 : memref<640x128xf32, #tpu.memory_space<hbm>>) target(%dma_start3A_15 : memref<640x128xf32, #tpu.memory_space<vmem_shared>>) target_semaphore(%run_scoped3A : memref<!tpu.dma_semaphore, #tpu.memory_space<semaphore_mem>>)
      %dma_wait3A = arith.constant 0 : i32
      %dma_wait3A_18 = tpu.memref_slice %arg10[%mul3A_4, %dma_wait3A] : memref<10240x128xf32, #tpu.memory_space<vmem_shared>> -> memref<640x128xf32, #tpu.memory_space<vmem_shared>>
      %dma_wait3A_19 = arith.constant 0 : i32
      %dma_wait3A_20 = tpu.memref_slice %arg2[%add3A, %dma_wait3A_19] : memref<20480x128xf32, #tpu.memory_space<hbm>> -> memref<640x128xf32, #tpu.memory_space<hbm>>
      tpu.wait_dma2 semaphore(%run_scoped3A : memref<!tpu.dma_semaphore, #tpu.memory_space<semaphore_mem>>) src(%dma_wait3A_20 : memref<640x128xf32, #tpu.memory_space<hbm>>) dst(%dma_wait3A_18 : memref<640x128xf32, #tpu.memory_space<vmem_shared>>)
      tpu.yield
    }) : () -> ()
    %barrier3A = arith.constant 0 : index
    tpu.barrier barrier_id(%barrier3A)
    %scan3A = arith.constant 0 : i32
    %scan3A_5 = arith.constant 0 : i32
    %scan3A_6 = arith.constant 4 : i32
    %scan3A_7 = arith.addi %scan3A_5, %scan3A_6 : i32
    %scan3A_8 = arith.constant 1 : i32
    scf.for %scan3A_15 = %scan3A_5 to %scan3A_7 step %scan3A_8  : i32 {
      "tpu.region"() ({
        %run_scoped3A = tpu.sem_alloc : memref<!tpu.dma_semaphore, #tpu.memory_space<semaphore_mem>>
        %dma_start3A_35 = arith.constant 0 : i32
        %dma_start3A_36 = arith.constant 0 : i32
        %dma_start3A_37 = tpu.memref_slice %arg3[%arg0, %arg1, %scan3A_15, %dma_start3A_35, %dma_start3A_36] : memref<2x16x4x40x128xi32, #tpu.memory_space<hbm>> -> memref<1x1x1x40x128xi32, #tpu.memory_space<hbm>>
        %dma_start3A_38 = tpu.memref_squeeze %dma_start3A_37 : memref<1x1x1x40x128xi32, #tpu.memory_space<hbm>> -> memref<40x128xi32, #tpu.memory_space<hbm>>
        %dma_start3A_39 = arith.constant 0 : i32
        %dma_start3A_40 = arith.constant 0 : i32
        %dma_start3A_41 = tpu.memref_slice %arg3[%arg0, %arg1, %scan3A_15, %dma_start3A_39, %dma_start3A_40] : memref<2x16x4x40x128xi32, #tpu.memory_space<hbm>> -> memref<1x1x1x40x128xi32, #tpu.memory_space<hbm>>
        %dma_start3A_42 = tpu.memref_squeeze %dma_start3A_41 : memref<1x1x1x40x128xi32, #tpu.memory_space<hbm>> -> memref<40x128xi32, #tpu.memory_space<hbm>>
        tpu.enqueue_dma source(%dma_start3A_42 : memref<40x128xi32, #tpu.memory_space<hbm>>) target(%arg6 : memref<40x128xi32, #tpu.memory_space<vmem>>) target_semaphore(%run_scoped3A : memref<!tpu.dma_semaphore, #tpu.memory_space<semaphore_mem>>)
        %dma_wait3A = arith.constant 0 : i32
        %dma_wait3A_43 = arith.constant 0 : i32
        %dma_wait3A_44 = tpu.memref_slice %arg3[%arg0, %arg1, %scan3A_15, %dma_wait3A, %dma_wait3A_43] : memref<2x16x4x40x128xi32, #tpu.memory_space<hbm>> -> memref<1x1x1x40x128xi32, #tpu.memory_space<hbm>>
        %dma_wait3A_45 = tpu.memref_squeeze %dma_wait3A_44 : memref<1x1x1x40x128xi32, #tpu.memory_space<hbm>> -> memref<40x128xi32, #tpu.memory_space<hbm>>
        %dma_wait3A_46 = arith.constant 0 : i32
        %dma_wait3A_47 = arith.constant 0 : i32
        %dma_wait3A_48 = tpu.memref_slice %arg3[%arg0, %arg1, %scan3A_15, %dma_wait3A_46, %dma_wait3A_47] : memref<2x16x4x40x128xi32, #tpu.memory_space<hbm>> -> memref<1x1x1x40x128xi32, #tpu.memory_space<hbm>>
        %dma_wait3A_49 = tpu.memref_squeeze %dma_wait3A_48 : memref<1x1x1x40x128xi32, #tpu.memory_space<hbm>> -> memref<40x128xi32, #tpu.memory_space<hbm>>
        tpu.wait_dma2 semaphore(%run_scoped3A : memref<!tpu.dma_semaphore, #tpu.memory_space<semaphore_mem>>) src(%dma_wait3A_49 : memref<40x128xi32, #tpu.memory_space<hbm>>) dst(%arg6 : memref<40x128xi32, #tpu.memory_space<vmem>>)
        tpu.yield
      }) : () -> ()
      "tpu.region"() ({
        %run_scoped3A = tpu.sem_alloc : memref<!tpu.dma_semaphore, #tpu.memory_space<semaphore_mem>>
        %dma_start3A_35 = arith.constant 0 : i32
        %dma_start3A_36 = arith.constant 0 : i32
        %dma_start3A_37 = tpu.memref_slice %arg4[%arg1, %scan3A_15, %dma_start3A_35, %dma_start3A_36] : memref<16x4x40x128xi32, #tpu.memory_space<hbm>> -> memref<1x1x40x128xi32, #tpu.memory_space<hbm>>
        %dma_start3A_38 = tpu.memref_squeeze %dma_start3A_37 : memref<1x1x40x128xi32, #tpu.memory_space<hbm>> -> memref<40x128xi32, #tpu.memory_space<hbm>>
        %dma_start3A_39 = arith.constant 0 : i32
        %dma_start3A_40 = arith.constant 0 : i32
        %dma_start3A_41 = tpu.memref_slice %arg4[%arg1, %scan3A_15, %dma_start3A_39, %dma_start3A_40] : memref<16x4x40x128xi32, #tpu.memory_space<hbm>> -> memref<1x1x40x128xi32, #tpu.memory_space<hbm>>
        %dma_start3A_42 = tpu.memref_squeeze %dma_start3A_41 : memref<1x1x40x128xi32, #tpu.memory_space<hbm>> -> memref<40x128xi32, #tpu.memory_space<hbm>>
        tpu.enqueue_dma source(%dma_start3A_42 : memref<40x128xi32, #tpu.memory_space<hbm>>) target(%arg7 : memref<40x128xi32, #tpu.memory_space<vmem>>) target_semaphore(%run_scoped3A : memref<!tpu.dma_semaphore, #tpu.memory_space<semaphore_mem>>)
        %dma_wait3A = arith.constant 0 : i32
        %dma_wait3A_43 = arith.constant 0 : i32
        %dma_wait3A_44 = tpu.memref_slice %arg4[%arg1, %scan3A_15, %dma_wait3A, %dma_wait3A_43] : memref<16x4x40x128xi32, #tpu.memory_space<hbm>> -> memref<1x1x40x128xi32, #tpu.memory_space<hbm>>
        %dma_wait3A_45 = tpu.memref_squeeze %dma_wait3A_44 : memref<1x1x40x128xi32, #tpu.memory_space<hbm>> -> memref<40x128xi32, #tpu.memory_space<hbm>>
        %dma_wait3A_46 = arith.constant 0 : i32
        %dma_wait3A_47 = arith.constant 0 : i32
        %dma_wait3A_48 = tpu.memref_slice %arg4[%arg1, %scan3A_15, %dma_wait3A_46, %dma_wait3A_47] : memref<16x4x40x128xi32, #tpu.memory_space<hbm>> -> memref<1x1x40x128xi32, #tpu.memory_space<hbm>>
        %dma_wait3A_49 = tpu.memref_squeeze %dma_wait3A_48 : memref<1x1x40x128xi32, #tpu.memory_space<hbm>> -> memref<40x128xi32, #tpu.memory_space<hbm>>
        tpu.wait_dma2 semaphore(%run_scoped3A : memref<!tpu.dma_semaphore, #tpu.memory_space<semaphore_mem>>) src(%dma_wait3A_49 : memref<40x128xi32, #tpu.memory_space<hbm>>) dst(%arg7 : memref<40x128xi32, #tpu.memory_space<vmem>>)
        tpu.yield
      }) : () -> ()
      %dma_start3A = arith.constant 0 : i32
      %dma_start3A_16 = arith.constant 0 : i32
      %dma_start3A_17 = tpu.memref_slice %arg6[%dma_start3A, %dma_start3A_16] : memref<40x128xi32, #tpu.memory_space<vmem>> -> memref<1x128xi32, #tpu.memory_space<vmem>>
      %dma_start3A_18 = tpu.memref_squeeze %dma_start3A_17 : memref<1x128xi32, #tpu.memory_space<vmem>> -> memref<128xi32, #tpu.memory_space<vmem>>
      %dma_start3A_19 = arith.constant 0 : i32
      %dma_start3A_20 = arith.constant 0 : i32
      %dma_start3A_21 = tpu.memref_slice %arg2[%dma_start3A_19, %dma_start3A_20] : memref<20480x128xf32, #tpu.memory_space<hbm>> -> memref<20480x128xf32, #tpu.memory_space<hbm>>
      tpu.enqueue_indirect_dma source(%dma_start3A_21 : memref<20480x128xf32, #tpu.memory_space<hbm>>) target(%arg8 : memref<128x128xf32, #tpu.memory_space<vmem>>) offsets(%dma_start3A_18 : memref<128xi32, #tpu.memory_space<vmem>>) semaphore(%arg11 : memref<!tpu.dma_semaphore, #tpu.memory_space<semaphore_mem>>)
      %dma_start3A_22 = arith.constant 1 : i32
      %dma_start3A_23 = arith.constant 0 : i32
      %dma_start3A_24 = tpu.memref_slice %arg6[%dma_start3A_22, %dma_start3A_23] : memref<40x128xi32, #tpu.memory_space<vmem>> -> memref<1x128xi32, #tpu.memory_space<vmem>>
      %dma_start3A_25 = tpu.memref_squeeze %dma_start3A_24 : memref<1x128xi32, #tpu.memory_space<vmem>> -> memref<128xi32, #tpu.memory_space<vmem>>
      %dma_start3A_26 = arith.constant 0 : i32
      %dma_start3A_27 = arith.constant 0 : i32
      %dma_start3A_28 = tpu.memref_slice %arg2[%dma_start3A_26, %dma_start3A_27] : memref<20480x128xf32, #tpu.memory_space<hbm>> -> memref<20480x128xf32, #tpu.memory_space<hbm>>
      tpu.enqueue_indirect_dma source(%dma_start3A_28 : memref<20480x128xf32, #tpu.memory_space<hbm>>) target(%arg9 : memref<128x128xf32, #tpu.memory_space<vmem>>) offsets(%dma_start3A_25 : memref<128xi32, #tpu.memory_space<vmem>>) semaphore(%arg12 : memref<!tpu.dma_semaphore, #tpu.memory_space<semaphore_mem>>)
      %scan3A_29 = arith.constant 0 : i32
      %scan3A_30 = arith.constant 0 : i32
      %scan3A_31 = arith.constant 20 : i32
      %scan3A_32 = arith.addi %scan3A_30, %scan3A_31 : i32
      %scan3A_33 = arith.constant 1 : i32
      scf.for %scan3A_35 = %scan3A_30 to %scan3A_32 step %scan3A_33  : i32 {
        %mul3A_36 = arith.constant 2 : i32
        %mul3A_37 = arith.muli %mul3A_36, %scan3A_35 : i32
        %dma_wait3A = arith.constant 0 : i32
        %dma_wait3A_38 = tpu.memref_slice %arg6[%mul3A_37, %dma_wait3A] : memref<40x128xi32, #tpu.memory_space<vmem>> -> memref<1x128xi32, #tpu.memory_space<vmem>>
        %dma_wait3A_39 = tpu.memref_squeeze %dma_wait3A_38 : memref<1x128xi32, #tpu.memory_space<vmem>> -> memref<128xi32, #tpu.memory_space<vmem>>
        %dma_wait3A_40 = arith.constant 0 : i32
        %dma_wait3A_41 = arith.constant 0 : i32
        %dma_wait3A_42 = tpu.memref_slice %arg2[%dma_wait3A_40, %dma_wait3A_41] : memref<20480x128xf32, #tpu.memory_space<hbm>> -> memref<20480x128xf32, #tpu.memory_space<hbm>>
        tpu.wait_indirect_dma semaphore(%arg11 : memref<!tpu.dma_semaphore, #tpu.memory_space<semaphore_mem>>) src(%dma_wait3A_42 : memref<20480x128xf32, #tpu.memory_space<hbm>>) dst(%arg8 : memref<128x128xf32, #tpu.memory_space<vmem>>)
        "tpu.region"() ({
          %run_scoped3A = tpu.sem_alloc : memref<!tpu.dma_semaphore, #tpu.memory_space<semaphore_mem>>
          %dma_start3A_64 = arith.constant 0 : i32
          %dma_start3A_65 = tpu.memref_slice %arg7[%mul3A_37, %dma_start3A_64] : memref<40x128xi32, #tpu.memory_space<vmem>> -> memref<1x128xi32, #tpu.memory_space<vmem>>
          %dma_start3A_66 = tpu.memref_squeeze %dma_start3A_65 : memref<1x128xi32, #tpu.memory_space<vmem>> -> memref<128xi32, #tpu.memory_space<vmem>>
          %dma_start3A_67 = arith.constant 0 : i32
          %dma_start3A_68 = arith.constant 0 : i32
          %dma_start3A_69 = tpu.memref_slice %arg10[%dma_start3A_67, %dma_start3A_68] : memref<10240x128xf32, #tpu.memory_space<vmem_shared>> -> memref<10240x128xf32, #tpu.memory_space<vmem_shared>>
          tpu.enqueue_indirect_dma source(%arg8 : memref<128x128xf32, #tpu.memory_space<vmem>>) target(%dma_start3A_69 : memref<10240x128xf32, #tpu.memory_space<vmem_shared>>) offsets(%dma_start3A_66 : memref<128xi32, #tpu.memory_space<vmem>>) semaphore(%run_scoped3A : memref<!tpu.dma_semaphore, #tpu.memory_space<semaphore_mem>>) {add = true}
          %dma_wait3A_70 = arith.constant 0 : i32
          %dma_wait3A_71 = tpu.memref_slice %arg7[%mul3A_37, %dma_wait3A_70] : memref<40x128xi32, #tpu.memory_space<vmem>> -> memref<1x128xi32, #tpu.memory_space<vmem>>
          %dma_wait3A_72 = tpu.memref_squeeze %dma_wait3A_71 : memref<1x128xi32, #tpu.memory_space<vmem>> -> memref<128xi32, #tpu.memory_space<vmem>>
          %dma_wait3A_73 = arith.constant 0 : i32
          %dma_wait3A_74 = arith.constant 0 : i32
          %dma_wait3A_75 = tpu.memref_slice %arg10[%dma_wait3A_73, %dma_wait3A_74] : memref<10240x128xf32, #tpu.memory_space<vmem_shared>> -> memref<10240x128xf32, #tpu.memory_space<vmem_shared>>
          tpu.wait_indirect_dma semaphore(%run_scoped3A : memref<!tpu.dma_semaphore, #tpu.memory_space<semaphore_mem>>) src(%arg8 : memref<128x128xf32, #tpu.memory_space<vmem>>) dst(%dma_wait3A_75 : memref<10240x128xf32, #tpu.memory_space<vmem_shared>>)
          tpu.yield
        }) : () -> ()
        %add3A_43 = arith.constant 2 : i32
        %add3A_44 = arith.addi %mul3A_37, %add3A_43 : i32
        %lt3A = arith.constant 40 : i32
        %lt3A_45 = arith.cmpi slt, %add3A_44, %lt3A : i32
        %convert_element_type3A = arith.extui %lt3A_45 : i1 to i32
        %cond3A = arith.constant 0 : i32
        %cond3A_46 = arith.cmpi ne, %convert_element_type3A, %cond3A : i32
        scf.if %cond3A_46 {
          %add3A_64 = arith.constant 2 : i32
          %add3A_65 = arith.addi %mul3A_37, %add3A_64 : i32
          %dma_start3A_66 = arith.constant 0 : i32
          %dma_start3A_67 = tpu.memref_slice %arg6[%add3A_65, %dma_start3A_66] : memref<40x128xi32, #tpu.memory_space<vmem>> -> memref<1x128xi32, #tpu.memory_space<vmem>>
          %dma_start3A_68 = tpu.memref_squeeze %dma_start3A_67 : memref<1x128xi32, #tpu.memory_space<vmem>> -> memref<128xi32, #tpu.memory_space<vmem>>
          %dma_start3A_69 = arith.constant 0 : i32
          %dma_start3A_70 = arith.constant 0 : i32
          %dma_start3A_71 = tpu.memref_slice %arg2[%dma_start3A_69, %dma_start3A_70] : memref<20480x128xf32, #tpu.memory_space<hbm>> -> memref<20480x128xf32, #tpu.memory_space<hbm>>
          tpu.enqueue_indirect_dma source(%dma_start3A_71 : memref<20480x128xf32, #tpu.memory_space<hbm>>) target(%arg8 : memref<128x128xf32, #tpu.memory_space<vmem>>) offsets(%dma_start3A_68 : memref<128xi32, #tpu.memory_space<vmem>>) semaphore(%arg11 : memref<!tpu.dma_semaphore, #tpu.memory_space<semaphore_mem>>)
        } else {
        }
        %add3A_47 = arith.constant 1 : i32
        %add3A_48 = arith.addi %mul3A_37, %add3A_47 : i32
        %dma_wait3A_49 = arith.constant 0 : i32
        %dma_wait3A_50 = tpu.memref_slice %arg6[%add3A_48, %dma_wait3A_49] : memref<40x128xi32, #tpu.memory_space<vmem>> -> memref<1x128xi32, #tpu.memory_space<vmem>>
        %dma_wait3A_51 = tpu.memref_squeeze %dma_wait3A_50 : memref<1x128xi32, #tpu.memory_space<vmem>> -> memref<128xi32, #tpu.memory_space<vmem>>
        %dma_wait3A_52 = arith.constant 0 : i32
        %dma_wait3A_53 = arith.constant 0 : i32
        %dma_wait3A_54 = tpu.memref_slice %arg2[%dma_wait3A_52, %dma_wait3A_53] : memref<20480x128xf32, #tpu.memory_space<hbm>> -> memref<20480x128xf32, #tpu.memory_space<hbm>>
        tpu.wait_indirect_dma semaphore(%arg12 : memref<!tpu.dma_semaphore, #tpu.memory_space<semaphore_mem>>) src(%dma_wait3A_54 : memref<20480x128xf32, #tpu.memory_space<hbm>>) dst(%arg9 : memref<128x128xf32, #tpu.memory_space<vmem>>)
        %add3A_55 = arith.constant 1 : i32
        %add3A_56 = arith.addi %mul3A_37, %add3A_55 : i32
        "tpu.region"() ({
          %run_scoped3A = tpu.sem_alloc : memref<!tpu.dma_semaphore, #tpu.memory_space<semaphore_mem>>
          %dma_start3A_64 = arith.constant 0 : i32
          %dma_start3A_65 = tpu.memref_slice %arg7[%add3A_56, %dma_start3A_64] : memref<40x128xi32, #tpu.memory_space<vmem>> -> memref<1x128xi32, #tpu.memory_space<vmem>>
          %dma_start3A_66 = tpu.memref_squeeze %dma_start3A_65 : memref<1x128xi32, #tpu.memory_space<vmem>> -> memref<128xi32, #tpu.memory_space<vmem>>
          %dma_start3A_67 = arith.constant 0 : i32
          %dma_start3A_68 = arith.constant 0 : i32
          %dma_start3A_69 = tpu.memref_slice %arg10[%dma_start3A_67, %dma_start3A_68] : memref<10240x128xf32, #tpu.memory_space<vmem_shared>> -> memref<10240x128xf32, #tpu.memory_space<vmem_shared>>
          tpu.enqueue_indirect_dma source(%arg9 : memref<128x128xf32, #tpu.memory_space<vmem>>) target(%dma_start3A_69 : memref<10240x128xf32, #tpu.memory_space<vmem_shared>>) offsets(%dma_start3A_66 : memref<128xi32, #tpu.memory_space<vmem>>) semaphore(%run_scoped3A : memref<!tpu.dma_semaphore, #tpu.memory_space<semaphore_mem>>) {add = true}
          %dma_wait3A_70 = arith.constant 0 : i32
          %dma_wait3A_71 = tpu.memref_slice %arg7[%add3A_56, %dma_wait3A_70] : memref<40x128xi32, #tpu.memory_space<vmem>> -> memref<1x128xi32, #tpu.memory_space<vmem>>
          %dma_wait3A_72 = tpu.memref_squeeze %dma_wait3A_71 : memref<1x128xi32, #tpu.memory_space<vmem>> -> memref<128xi32, #tpu.memory_space<vmem>>
          %dma_wait3A_73 = arith.constant 0 : i32
          %dma_wait3A_74 = arith.constant 0 : i32
          %dma_wait3A_75 = tpu.memref_slice %arg10[%dma_wait3A_73, %dma_wait3A_74] : memref<10240x128xf32, #tpu.memory_space<vmem_shared>> -> memref<10240x128xf32, #tpu.memory_space<vmem_shared>>
          tpu.wait_indirect_dma semaphore(%run_scoped3A : memref<!tpu.dma_semaphore, #tpu.memory_space<semaphore_mem>>) src(%arg9 : memref<128x128xf32, #tpu.memory_space<vmem>>) dst(%dma_wait3A_75 : memref<10240x128xf32, #tpu.memory_space<vmem_shared>>)
          tpu.yield
        }) : () -> ()
        %add3A_57 = arith.constant 3 : i32
        %add3A_58 = arith.addi %mul3A_37, %add3A_57 : i32
        %lt3A_59 = arith.constant 40 : i32
        %lt3A_60 = arith.cmpi slt, %add3A_58, %lt3A_59 : i32
        %convert_element_type3A_61 = arith.extui %lt3A_60 : i1 to i32
        %cond3A_62 = arith.constant 0 : i32
        %cond3A_63 = arith.cmpi ne, %convert_element_type3A_61, %cond3A_62 : i32
        scf.if %cond3A_63 {
          %add3A_64 = arith.constant 3 : i32
          %add3A_65 = arith.addi %mul3A_37, %add3A_64 : i32
          %dma_start3A_66 = arith.constant 0 : i32
          %dma_start3A_67 = tpu.memref_slice %arg6[%add3A_65, %dma_start3A_66] : memref<40x128xi32, #tpu.memory_space<vmem>> -> memref<1x128xi32, #tpu.memory_space<vmem>>
          %dma_start3A_68 = tpu.memref_squeeze %dma_start3A_67 : memref<1x128xi32, #tpu.memory_space<vmem>> -> memref<128xi32, #tpu.memory_space<vmem>>
          %dma_start3A_69 = arith.constant 0 : i32
          %dma_start3A_70 = arith.constant 0 : i32
          %dma_start3A_71 = tpu.memref_slice %arg2[%dma_start3A_69, %dma_start3A_70] : memref<20480x128xf32, #tpu.memory_space<hbm>> -> memref<20480x128xf32, #tpu.memory_space<hbm>>
          tpu.enqueue_indirect_dma source(%dma_start3A_71 : memref<20480x128xf32, #tpu.memory_space<hbm>>) target(%arg9 : memref<128x128xf32, #tpu.memory_space<vmem>>) offsets(%dma_start3A_68 : memref<128xi32, #tpu.memory_space<vmem>>) semaphore(%arg12 : memref<!tpu.dma_semaphore, #tpu.memory_space<semaphore_mem>>)
        } else {
        }
      }
      %scan3A_34 = arith.constant 20 : i32
    }
    %scan3A_9 = arith.constant 4 : i32
    %barrier3A_10 = arith.constant 0 : index
    tpu.barrier barrier_id(%barrier3A_10)
    %mul3A_11 = arith.constant 640 : i32
    %mul3A_12 = arith.muli %arg1, %mul3A_11 : i32
    %mul3A_13 = arith.constant 640 : i32
    %mul3A_14 = arith.muli %arg1, %mul3A_13 : i32
    "tpu.region"() ({
      %run_scoped3A = tpu.sem_alloc : memref<!tpu.dma_semaphore, #tpu.memory_space<semaphore_mem>>
      %dma_start3A = arith.constant 0 : i32
      %dma_start3A_15 = tpu.memref_slice %arg5[%arg0, %mul3A_14, %dma_start3A] : memref<2x10240x128xf32, #tpu.memory_space<hbm>> -> memref<1x640x128xf32, #tpu.memory_space<hbm>>
      %dma_start3A_16 = tpu.memref_squeeze %dma_start3A_15 : memref<1x640x128xf32, #tpu.memory_space<hbm>> -> memref<640x128xf32, #tpu.memory_space<hbm>>
      %dma_start3A_17 = arith.constant 0 : i32
      %dma_start3A_18 = tpu.memref_slice %arg10[%mul3A_12, %dma_start3A_17] : memref<10240x128xf32, #tpu.memory_space<vmem_shared>> -> memref<640x128xf32, #tpu.memory_space<vmem_shared>>
      tpu.enqueue_dma source(%dma_start3A_18 : memref<640x128xf32, #tpu.memory_space<vmem_shared>>) target(%dma_start3A_16 : memref<640x128xf32, #tpu.memory_space<hbm>>) target_semaphore(%run_scoped3A : memref<!tpu.dma_semaphore, #tpu.memory_space<semaphore_mem>>)
      %dma_wait3A = arith.constant 0 : i32
      %dma_wait3A_19 = tpu.memref_slice %arg5[%arg0, %mul3A_14, %dma_wait3A] : memref<2x10240x128xf32, #tpu.memory_space<hbm>> -> memref<1x640x128xf32, #tpu.memory_space<hbm>>
      %dma_wait3A_20 = tpu.memref_squeeze %dma_wait3A_19 : memref<1x640x128xf32, #tpu.memory_space<hbm>> -> memref<640x128xf32, #tpu.memory_space<hbm>>
      %dma_wait3A_21 = arith.constant 0 : i32
      %dma_wait3A_22 = tpu.memref_slice %arg10[%mul3A_12, %dma_wait3A_21] : memref<10240x128xf32, #tpu.memory_space<vmem_shared>> -> memref<640x128xf32, #tpu.memory_space<vmem_shared>>
      tpu.wait_dma2 semaphore(%run_scoped3A : memref<!tpu.dma_semaphore, #tpu.memory_space<semaphore_mem>>) src(%dma_wait3A_22 : memref<640x128xf32, #tpu.memory_space<vmem_shared>>) dst(%dma_wait3A_20 : memref<640x128xf32, #tpu.memory_space<hbm>>)
      tpu.yield
    }) : () -> ()
    return
  }
}

#map = affine_map<(d0, d1) -> (0, 0)>
#map1 = affine_map<(d0, d1) -> (0, 0, 0, 0, 0)>
#map2 = affine_map<(d0, d1) -> (0, 0, 0, 0)>
#map3 = affine_map<(d0, d1) -> (0, 0, 0)>
module attributes {stable_mosaic.version = 14 : i64} {
  func.func @_layer_kernel(%arg0: i32, %arg1: i32, %arg2: memref<20480x128xf32, #tpu.memory_space<hbm>>, %arg3: memref<2x16x4x40x128xi32, #tpu.memory_space<hbm>>, %arg4: memref<16x4x40x128xi32, #tpu.memory_space<hbm>>, %arg5: memref<2x10240x128xf32, #tpu.memory_space<hbm>>, %arg6: memref<40x128xi32, #tpu.memory_space<vmem>>, %arg7: memref<40x128xi32, #tpu.memory_space<vmem>>, %arg8: memref<128x128xf32, #tpu.memory_space<vmem>>, %arg9: memref<128x128xf32, #tpu.memory_space<vmem>>, %arg10: memref<10240x128xf32, #tpu.memory_space<vmem_shared>>, %arg11: memref<!tpu.dma_semaphore, #tpu.memory_space<semaphore_mem>>, %arg12: memref<!tpu.dma_semaphore, #tpu.memory_space<semaphore_mem>>) attributes {dimension_semantics = [#tpu.dimension_semantics<core_parallel>, #tpu.dimension_semantics<subcore_parallel>], iteration_bounds = array<i64: 2, 16>, scalar_prefetch = 0 : i64, scratch_operands = 7 : i64, tpu.core_type = #tpu.core_type<sc_vector_subcore>, window_params = [{transform_indices = #map}, {transform_indices = #map1}, {transform_indices = #map2}, {transform_indices = #map3}]} {
    %mul3A = arith.constant 10240 : i32
    %mul3A_0 = arith.muli %arg0, %mul3A : i32
    %mul3A_1 = arith.constant 640 : i32
    %mul3A_2 = arith.muli %arg1, %mul3A_1 : i32
    %add3A = arith.addi %mul3A_0, %mul3A_2 : i32
    %mul3A_3 = arith.constant 640 : i32
    %mul3A_4 = arith.muli %arg1, %mul3A_3 : i32
    "tpu.region"() ({
      %run_scoped3A = tpu.sem_alloc : memref<!tpu.dma_semaphore, #tpu.memory_space<semaphore_mem>>
      %dma_start3A = arith.constant 0 : i32
      %dma_start3A_15 = tpu.memref_slice %arg10[%mul3A_4, %dma_start3A] : memref<10240x128xf32, #tpu.memory_space<vmem_shared>> -> memref<640x128xf32, #tpu.memory_space<vmem_shared>>
      %dma_start3A_16 = arith.constant 0 : i32
      %dma_start3A_17 = tpu.memref_slice %arg2[%add3A, %dma_start3A_16] : memref<20480x128xf32, #tpu.memory_space<hbm>> -> memref<640x128xf32, #tpu.memory_space<hbm>>
      tpu.enqueue_dma source(%dma_start3A_17 : memref<640x128xf32, #tpu.memory_space<hbm>>) target(%dma_start3A_15 : memref<640x128xf32, #tpu.memory_space<vmem_shared>>) target_semaphore(%run_scoped3A : memref<!tpu.dma_semaphore, #tpu.memory_space<semaphore_mem>>)
      %dma_wait3A = arith.constant 0 : i32
      %dma_wait3A_18 = tpu.memref_slice %arg10[%mul3A_4, %dma_wait3A] : memref<10240x128xf32, #tpu.memory_space<vmem_shared>> -> memref<640x128xf32, #tpu.memory_space<vmem_shared>>
      %dma_wait3A_19 = arith.constant 0 : i32
      %dma_wait3A_20 = tpu.memref_slice %arg2[%add3A, %dma_wait3A_19] : memref<20480x128xf32, #tpu.memory_space<hbm>> -> memref<640x128xf32, #tpu.memory_space<hbm>>
      tpu.wait_dma2 semaphore(%run_scoped3A : memref<!tpu.dma_semaphore, #tpu.memory_space<semaphore_mem>>) src(%dma_wait3A_20 : memref<640x128xf32, #tpu.memory_space<hbm>>) dst(%dma_wait3A_18 : memref<640x128xf32, #tpu.memory_space<vmem_shared>>)
      tpu.yield
    }) : () -> ()
    %barrier3A = arith.constant 0 : index
    tpu.barrier barrier_id(%barrier3A)
    %scan3A = arith.constant 0 : i32
    %scan3A_5 = arith.constant 0 : i32
    %scan3A_6 = arith.constant 4 : i32
    %scan3A_7 = arith.addi %scan3A_5, %scan3A_6 : i32
    %scan3A_8 = arith.constant 1 : i32
    scf.for %scan3A_15 = %scan3A_5 to %scan3A_7 step %scan3A_8  : i32 {
      "tpu.region"() ({
        %run_scoped3A = tpu.sem_alloc : memref<!tpu.dma_semaphore, #tpu.memory_space<semaphore_mem>>
        %dma_start3A_35 = arith.constant 0 : i32
        %dma_start3A_36 = arith.constant 0 : i32
        %dma_start3A_37 = tpu.memref_slice %arg3[%arg0, %arg1, %scan3A_15, %dma_start3A_35, %dma_start3A_36] : memref<2x16x4x40x128xi32, #tpu.memory_space<hbm>> -> memref<1x1x1x40x128xi32, #tpu.memory_space<hbm>>
        %dma_start3A_38 = tpu.memref_squeeze %dma_start3A_37 : memref<1x1x1x40x128xi32, #tpu.memory_space<hbm>> -> memref<40x128xi32, #tpu.memory_space<hbm>>
        %dma_start3A_39 = arith.constant 0 : i32
        %dma_start3A_40 = arith.constant 0 : i32
        %dma_start3A_41 = tpu.memref_slice %arg3[%arg0, %arg1, %scan3A_15, %dma_start3A_39, %dma_start3A_40] : memref<2x16x4x40x128xi32, #tpu.memory_space<hbm>> -> memref<1x1x1x40x128xi32, #tpu.memory_space<hbm>>
        %dma_start3A_42 = tpu.memref_squeeze %dma_start3A_41 : memref<1x1x1x40x128xi32, #tpu.memory_space<hbm>> -> memref<40x128xi32, #tpu.memory_space<hbm>>
        tpu.enqueue_dma source(%dma_start3A_42 : memref<40x128xi32, #tpu.memory_space<hbm>>) target(%arg6 : memref<40x128xi32, #tpu.memory_space<vmem>>) target_semaphore(%run_scoped3A : memref<!tpu.dma_semaphore, #tpu.memory_space<semaphore_mem>>)
        %dma_wait3A = arith.constant 0 : i32
        %dma_wait3A_43 = arith.constant 0 : i32
        %dma_wait3A_44 = tpu.memref_slice %arg3[%arg0, %arg1, %scan3A_15, %dma_wait3A, %dma_wait3A_43] : memref<2x16x4x40x128xi32, #tpu.memory_space<hbm>> -> memref<1x1x1x40x128xi32, #tpu.memory_space<hbm>>
        %dma_wait3A_45 = tpu.memref_squeeze %dma_wait3A_44 : memref<1x1x1x40x128xi32, #tpu.memory_space<hbm>> -> memref<40x128xi32, #tpu.memory_space<hbm>>
        %dma_wait3A_46 = arith.constant 0 : i32
        %dma_wait3A_47 = arith.constant 0 : i32
        %dma_wait3A_48 = tpu.memref_slice %arg3[%arg0, %arg1, %scan3A_15, %dma_wait3A_46, %dma_wait3A_47] : memref<2x16x4x40x128xi32, #tpu.memory_space<hbm>> -> memref<1x1x1x40x128xi32, #tpu.memory_space<hbm>>
        %dma_wait3A_49 = tpu.memref_squeeze %dma_wait3A_48 : memref<1x1x1x40x128xi32, #tpu.memory_space<hbm>> -> memref<40x128xi32, #tpu.memory_space<hbm>>
        tpu.wait_dma2 semaphore(%run_scoped3A : memref<!tpu.dma_semaphore, #tpu.memory_space<semaphore_mem>>) src(%dma_wait3A_49 : memref<40x128xi32, #tpu.memory_space<hbm>>) dst(%arg6 : memref<40x128xi32, #tpu.memory_space<vmem>>)
        tpu.yield
      }) : () -> ()
      "tpu.region"() ({
        %run_scoped3A = tpu.sem_alloc : memref<!tpu.dma_semaphore, #tpu.memory_space<semaphore_mem>>
        %dma_start3A_35 = arith.constant 0 : i32
        %dma_start3A_36 = arith.constant 0 : i32
        %dma_start3A_37 = tpu.memref_slice %arg4[%arg1, %scan3A_15, %dma_start3A_35, %dma_start3A_36] : memref<16x4x40x128xi32, #tpu.memory_space<hbm>> -> memref<1x1x40x128xi32, #tpu.memory_space<hbm>>
        %dma_start3A_38 = tpu.memref_squeeze %dma_start3A_37 : memref<1x1x40x128xi32, #tpu.memory_space<hbm>> -> memref<40x128xi32, #tpu.memory_space<hbm>>
        %dma_start3A_39 = arith.constant 0 : i32
        %dma_start3A_40 = arith.constant 0 : i32
        %dma_start3A_41 = tpu.memref_slice %arg4[%arg1, %scan3A_15, %dma_start3A_39, %dma_start3A_40] : memref<16x4x40x128xi32, #tpu.memory_space<hbm>> -> memref<1x1x40x128xi32, #tpu.memory_space<hbm>>
        %dma_start3A_42 = tpu.memref_squeeze %dma_start3A_41 : memref<1x1x40x128xi32, #tpu.memory_space<hbm>> -> memref<40x128xi32, #tpu.memory_space<hbm>>
        tpu.enqueue_dma source(%dma_start3A_42 : memref<40x128xi32, #tpu.memory_space<hbm>>) target(%arg7 : memref<40x128xi32, #tpu.memory_space<vmem>>) target_semaphore(%run_scoped3A : memref<!tpu.dma_semaphore, #tpu.memory_space<semaphore_mem>>)
        %dma_wait3A = arith.constant 0 : i32
        %dma_wait3A_43 = arith.constant 0 : i32
        %dma_wait3A_44 = tpu.memref_slice %arg4[%arg1, %scan3A_15, %dma_wait3A, %dma_wait3A_43] : memref<16x4x40x128xi32, #tpu.memory_space<hbm>> -> memref<1x1x40x128xi32, #tpu.memory_space<hbm>>
        %dma_wait3A_45 = tpu.memref_squeeze %dma_wait3A_44 : memref<1x1x40x128xi32, #tpu.memory_space<hbm>> -> memref<40x128xi32, #tpu.memory_space<hbm>>
        %dma_wait3A_46 = arith.constant 0 : i32
        %dma_wait3A_47 = arith.constant 0 : i32
        %dma_wait3A_48 = tpu.memref_slice %arg4[%arg1, %scan3A_15, %dma_wait3A_46, %dma_wait3A_47] : memref<16x4x40x128xi32, #tpu.memory_space<hbm>> -> memref<1x1x40x128xi32, #tpu.memory_space<hbm>>
        %dma_wait3A_49 = tpu.memref_squeeze %dma_wait3A_48 : memref<1x1x40x128xi32, #tpu.memory_space<hbm>> -> memref<40x128xi32, #tpu.memory_space<hbm>>
        tpu.wait_dma2 semaphore(%run_scoped3A : memref<!tpu.dma_semaphore, #tpu.memory_space<semaphore_mem>>) src(%dma_wait3A_49 : memref<40x128xi32, #tpu.memory_space<hbm>>) dst(%arg7 : memref<40x128xi32, #tpu.memory_space<vmem>>)
        tpu.yield
      }) : () -> ()
      %dma_start3A = arith.constant 0 : i32
      %dma_start3A_16 = arith.constant 0 : i32
      %dma_start3A_17 = tpu.memref_slice %arg6[%dma_start3A, %dma_start3A_16] : memref<40x128xi32, #tpu.memory_space<vmem>> -> memref<1x128xi32, #tpu.memory_space<vmem>>
      %dma_start3A_18 = tpu.memref_squeeze %dma_start3A_17 : memref<1x128xi32, #tpu.memory_space<vmem>> -> memref<128xi32, #tpu.memory_space<vmem>>
      %dma_start3A_19 = arith.constant 0 : i32
      %dma_start3A_20 = arith.constant 0 : i32
      %dma_start3A_21 = tpu.memref_slice %arg2[%dma_start3A_19, %dma_start3A_20] : memref<20480x128xf32, #tpu.memory_space<hbm>> -> memref<20480x128xf32, #tpu.memory_space<hbm>>
      tpu.enqueue_indirect_dma source(%dma_start3A_21 : memref<20480x128xf32, #tpu.memory_space<hbm>>) target(%arg8 : memref<128x128xf32, #tpu.memory_space<vmem>>) offsets(%dma_start3A_18 : memref<128xi32, #tpu.memory_space<vmem>>) semaphore(%arg11 : memref<!tpu.dma_semaphore, #tpu.memory_space<semaphore_mem>>)
      %dma_start3A_22 = arith.constant 1 : i32
      %dma_start3A_23 = arith.constant 0 : i32
      %dma_start3A_24 = tpu.memref_slice %arg6[%dma_start3A_22, %dma_start3A_23] : memref<40x128xi32, #tpu.memory_space<vmem>> -> memref<1x128xi32, #tpu.memory_space<vmem>>
      %dma_start3A_25 = tpu.memref_squeeze %dma_start3A_24 : memref<1x128xi32, #tpu.memory_space<vmem>> -> memref<128xi32, #tpu.memory_space<vmem>>
      %dma_start3A_26 = arith.constant 0 : i32
      %dma_start3A_27 = arith.constant 0 : i32
      %dma_start3A_28 = tpu.memref_slice %arg2[%dma_start3A_26, %dma_start3A_27] : memref<20480x128xf32, #tpu.memory_space<hbm>> -> memref<20480x128xf32, #tpu.memory_space<hbm>>
      tpu.enqueue_indirect_dma source(%dma_start3A_28 : memref<20480x128xf32, #tpu.memory_space<hbm>>) target(%arg9 : memref<128x128xf32, #tpu.memory_space<vmem>>) offsets(%dma_start3A_25 : memref<128xi32, #tpu.memory_space<vmem>>) semaphore(%arg12 : memref<!tpu.dma_semaphore, #tpu.memory_space<semaphore_mem>>)
      %scan3A_29 = arith.constant 0 : i32
      %scan3A_30 = arith.constant 0 : i32
      %scan3A_31 = arith.constant 20 : i32
      %scan3A_32 = arith.addi %scan3A_30, %scan3A_31 : i32
      %scan3A_33 = arith.constant 1 : i32
      scf.for %scan3A_35 = %scan3A_30 to %scan3A_32 step %scan3A_33  : i32 {
        %mul3A_36 = arith.constant 2 : i32
        %mul3A_37 = arith.muli %mul3A_36, %scan3A_35 : i32
        %dma_wait3A = arith.constant 0 : i32
        %dma_wait3A_38 = tpu.memref_slice %arg6[%mul3A_37, %dma_wait3A] : memref<40x128xi32, #tpu.memory_space<vmem>> -> memref<1x128xi32, #tpu.memory_space<vmem>>
        %dma_wait3A_39 = tpu.memref_squeeze %dma_wait3A_38 : memref<1x128xi32, #tpu.memory_space<vmem>> -> memref<128xi32, #tpu.memory_space<vmem>>
        %dma_wait3A_40 = arith.constant 0 : i32
        %dma_wait3A_41 = arith.constant 0 : i32
        %dma_wait3A_42 = tpu.memref_slice %arg2[%dma_wait3A_40, %dma_wait3A_41] : memref<20480x128xf32, #tpu.memory_space<hbm>> -> memref<20480x128xf32, #tpu.memory_space<hbm>>
        tpu.wait_indirect_dma semaphore(%arg11 : memref<!tpu.dma_semaphore, #tpu.memory_space<semaphore_mem>>) src(%dma_wait3A_42 : memref<20480x128xf32, #tpu.memory_space<hbm>>) dst(%arg8 : memref<128x128xf32, #tpu.memory_space<vmem>>)
        "tpu.region"() ({
          %run_scoped3A = tpu.sem_alloc : memref<!tpu.dma_semaphore, #tpu.memory_space<semaphore_mem>>
          %dma_start3A_64 = arith.constant 0 : i32
          %dma_start3A_65 = tpu.memref_slice %arg7[%mul3A_37, %dma_start3A_64] : memref<40x128xi32, #tpu.memory_space<vmem>> -> memref<1x128xi32, #tpu.memory_space<vmem>>
          %dma_start3A_66 = tpu.memref_squeeze %dma_start3A_65 : memref<1x128xi32, #tpu.memory_space<vmem>> -> memref<128xi32, #tpu.memory_space<vmem>>
          %dma_start3A_67 = arith.constant 0 : i32
          %dma_start3A_68 = arith.constant 0 : i32
          %dma_start3A_69 = tpu.memref_slice %arg10[%dma_start3A_67, %dma_start3A_68] : memref<10240x128xf32, #tpu.memory_space<vmem_shared>> -> memref<10240x128xf32, #tpu.memory_space<vmem_shared>>
          tpu.enqueue_indirect_dma source(%arg8 : memref<128x128xf32, #tpu.memory_space<vmem>>) target(%dma_start3A_69 : memref<10240x128xf32, #tpu.memory_space<vmem_shared>>) offsets(%dma_start3A_66 : memref<128xi32, #tpu.memory_space<vmem>>) semaphore(%run_scoped3A : memref<!tpu.dma_semaphore, #tpu.memory_space<semaphore_mem>>) {add = true}
          %dma_wait3A_70 = arith.constant 0 : i32
          %dma_wait3A_71 = tpu.memref_slice %arg7[%mul3A_37, %dma_wait3A_70] : memref<40x128xi32, #tpu.memory_space<vmem>> -> memref<1x128xi32, #tpu.memory_space<vmem>>
          %dma_wait3A_72 = tpu.memref_squeeze %dma_wait3A_71 : memref<1x128xi32, #tpu.memory_space<vmem>> -> memref<128xi32, #tpu.memory_space<vmem>>
          %dma_wait3A_73 = arith.constant 0 : i32
          %dma_wait3A_74 = arith.constant 0 : i32
          %dma_wait3A_75 = tpu.memref_slice %arg10[%dma_wait3A_73, %dma_wait3A_74] : memref<10240x128xf32, #tpu.memory_space<vmem_shared>> -> memref<10240x128xf32, #tpu.memory_space<vmem_shared>>
          tpu.wait_indirect_dma semaphore(%run_scoped3A : memref<!tpu.dma_semaphore, #tpu.memory_space<semaphore_mem>>) src(%arg8 : memref<128x128xf32, #tpu.memory_space<vmem>>) dst(%dma_wait3A_75 : memref<10240x128xf32, #tpu.memory_space<vmem_shared>>)
          tpu.yield
        }) : () -> ()
        %add3A_43 = arith.constant 2 : i32
        %add3A_44 = arith.addi %mul3A_37, %add3A_43 : i32
        %lt3A = arith.constant 40 : i32
        %lt3A_45 = arith.cmpi slt, %add3A_44, %lt3A : i32
        %convert_element_type3A = arith.extui %lt3A_45 : i1 to i32
        %cond3A = arith.constant 0 : i32
        %cond3A_46 = arith.cmpi ne, %convert_element_type3A, %cond3A : i32
        scf.if %cond3A_46 {
          %add3A_64 = arith.constant 2 : i32
          %add3A_65 = arith.addi %mul3A_37, %add3A_64 : i32
          %dma_start3A_66 = arith.constant 0 : i32
          %dma_start3A_67 = tpu.memref_slice %arg6[%add3A_65, %dma_start3A_66] : memref<40x128xi32, #tpu.memory_space<vmem>> -> memref<1x128xi32, #tpu.memory_space<vmem>>
          %dma_start3A_68 = tpu.memref_squeeze %dma_start3A_67 : memref<1x128xi32, #tpu.memory_space<vmem>> -> memref<128xi32, #tpu.memory_space<vmem>>
          %dma_start3A_69 = arith.constant 0 : i32
          %dma_start3A_70 = arith.constant 0 : i32
          %dma_start3A_71 = tpu.memref_slice %arg2[%dma_start3A_69, %dma_start3A_70] : memref<20480x128xf32, #tpu.memory_space<hbm>> -> memref<20480x128xf32, #tpu.memory_space<hbm>>
          tpu.enqueue_indirect_dma source(%dma_start3A_71 : memref<20480x128xf32, #tpu.memory_space<hbm>>) target(%arg8 : memref<128x128xf32, #tpu.memory_space<vmem>>) offsets(%dma_start3A_68 : memref<128xi32, #tpu.memory_space<vmem>>) semaphore(%arg11 : memref<!tpu.dma_semaphore, #tpu.memory_space<semaphore_mem>>)
        } else {
        }
        %add3A_47 = arith.constant 1 : i32
        %add3A_48 = arith.addi %mul3A_37, %add3A_47 : i32
        %dma_wait3A_49 = arith.constant 0 : i32
        %dma_wait3A_50 = tpu.memref_slice %arg6[%add3A_48, %dma_wait3A_49] : memref<40x128xi32, #tpu.memory_space<vmem>> -> memref<1x128xi32, #tpu.memory_space<vmem>>
        %dma_wait3A_51 = tpu.memref_squeeze %dma_wait3A_50 : memref<1x128xi32, #tpu.memory_space<vmem>> -> memref<128xi32, #tpu.memory_space<vmem>>
        %dma_wait3A_52 = arith.constant 0 : i32
        %dma_wait3A_53 = arith.constant 0 : i32
        %dma_wait3A_54 = tpu.memref_slice %arg2[%dma_wait3A_52, %dma_wait3A_53] : memref<20480x128xf32, #tpu.memory_space<hbm>> -> memref<20480x128xf32, #tpu.memory_space<hbm>>
        tpu.wait_indirect_dma semaphore(%arg12 : memref<!tpu.dma_semaphore, #tpu.memory_space<semaphore_mem>>) src(%dma_wait3A_54 : memref<20480x128xf32, #tpu.memory_space<hbm>>) dst(%arg9 : memref<128x128xf32, #tpu.memory_space<vmem>>)
        %add3A_55 = arith.constant 1 : i32
        %add3A_56 = arith.addi %mul3A_37, %add3A_55 : i32
        "tpu.region"() ({
          %run_scoped3A = tpu.sem_alloc : memref<!tpu.dma_semaphore, #tpu.memory_space<semaphore_mem>>
          %dma_start3A_64 = arith.constant 0 : i32
          %dma_start3A_65 = tpu.memref_slice %arg7[%add3A_56, %dma_start3A_64] : memref<40x128xi32, #tpu.memory_space<vmem>> -> memref<1x128xi32, #tpu.memory_space<vmem>>
          %dma_start3A_66 = tpu.memref_squeeze %dma_start3A_65 : memref<1x128xi32, #tpu.memory_space<vmem>> -> memref<128xi32, #tpu.memory_space<vmem>>
          %dma_start3A_67 = arith.constant 0 : i32
          %dma_start3A_68 = arith.constant 0 : i32
          %dma_start3A_69 = tpu.memref_slice %arg10[%dma_start3A_67, %dma_start3A_68] : memref<10240x128xf32, #tpu.memory_space<vmem_shared>> -> memref<10240x128xf32, #tpu.memory_space<vmem_shared>>
          tpu.enqueue_indirect_dma source(%arg9 : memref<128x128xf32, #tpu.memory_space<vmem>>) target(%dma_start3A_69 : memref<10240x128xf32, #tpu.memory_space<vmem_shared>>) offsets(%dma_start3A_66 : memref<128xi32, #tpu.memory_space<vmem>>) semaphore(%run_scoped3A : memref<!tpu.dma_semaphore, #tpu.memory_space<semaphore_mem>>) {add = true}
          %dma_wait3A_70 = arith.constant 0 : i32
          %dma_wait3A_71 = tpu.memref_slice %arg7[%add3A_56, %dma_wait3A_70] : memref<40x128xi32, #tpu.memory_space<vmem>> -> memref<1x128xi32, #tpu.memory_space<vmem>>
          %dma_wait3A_72 = tpu.memref_squeeze %dma_wait3A_71 : memref<1x128xi32, #tpu.memory_space<vmem>> -> memref<128xi32, #tpu.memory_space<vmem>>
          %dma_wait3A_73 = arith.constant 0 : i32
          %dma_wait3A_74 = arith.constant 0 : i32
          %dma_wait3A_75 = tpu.memref_slice %arg10[%dma_wait3A_73, %dma_wait3A_74] : memref<10240x128xf32, #tpu.memory_space<vmem_shared>> -> memref<10240x128xf32, #tpu.memory_space<vmem_shared>>
          tpu.wait_indirect_dma semaphore(%run_scoped3A : memref<!tpu.dma_semaphore, #tpu.memory_space<semaphore_mem>>) src(%arg9 : memref<128x128xf32, #tpu.memory_space<vmem>>) dst(%dma_wait3A_75 : memref<10240x128xf32, #tpu.memory_space<vmem_shared>>)
          tpu.yield
        }) : () -> ()
        %add3A_57 = arith.constant 3 : i32
        %add3A_58 = arith.addi %mul3A_37, %add3A_57 : i32
        %lt3A_59 = arith.constant 40 : i32
        %lt3A_60 = arith.cmpi slt, %add3A_58, %lt3A_59 : i32
        %convert_element_type3A_61 = arith.extui %lt3A_60 : i1 to i32
        %cond3A_62 = arith.constant 0 : i32
        %cond3A_63 = arith.cmpi ne, %convert_element_type3A_61, %cond3A_62 : i32
        scf.if %cond3A_63 {
          %add3A_64 = arith.constant 3 : i32
          %add3A_65 = arith.addi %mul3A_37, %add3A_64 : i32
          %dma_start3A_66 = arith.constant 0 : i32
          %dma_start3A_67 = tpu.memref_slice %arg6[%add3A_65, %dma_start3A_66] : memref<40x128xi32, #tpu.memory_space<vmem>> -> memref<1x128xi32, #tpu.memory_space<vmem>>
          %dma_start3A_68 = tpu.memref_squeeze %dma_start3A_67 : memref<1x128xi32, #tpu.memory_space<vmem>> -> memref<128xi32, #tpu.memory_space<vmem>>
          %dma_start3A_69 = arith.constant 0 : i32
          %dma_start3A_70 = arith.constant 0 : i32
          %dma_start3A_71 = tpu.memref_slice %arg2[%dma_start3A_69, %dma_start3A_70] : memref<20480x128xf32, #tpu.memory_space<hbm>> -> memref<20480x128xf32, #tpu.memory_space<hbm>>
          tpu.enqueue_indirect_dma source(%dma_start3A_71 : memref<20480x128xf32, #tpu.memory_space<hbm>>) target(%arg9 : memref<128x128xf32, #tpu.memory_space<vmem>>) offsets(%dma_start3A_68 : memref<128xi32, #tpu.memory_space<vmem>>) semaphore(%arg12 : memref<!tpu.dma_semaphore, #tpu.memory_space<semaphore_mem>>)
        } else {
        }
      }
      %scan3A_34 = arith.constant 20 : i32
    }
    %scan3A_9 = arith.constant 4 : i32
    %barrier3A_10 = arith.constant 0 : index
    tpu.barrier barrier_id(%barrier3A_10)
    %mul3A_11 = arith.constant 640 : i32
    %mul3A_12 = arith.muli %arg1, %mul3A_11 : i32
    %mul3A_13 = arith.constant 640 : i32
    %mul3A_14 = arith.muli %arg1, %mul3A_13 : i32
    "tpu.region"() ({
      %run_scoped3A = tpu.sem_alloc : memref<!tpu.dma_semaphore, #tpu.memory_space<semaphore_mem>>
      %dma_start3A = arith.constant 0 : i32
      %dma_start3A_15 = tpu.memref_slice %arg5[%arg0, %mul3A_14, %dma_start3A] : memref<2x10240x128xf32, #tpu.memory_space<hbm>> -> memref<1x640x128xf32, #tpu.memory_space<hbm>>
      %dma_start3A_16 = tpu.memref_squeeze %dma_start3A_15 : memref<1x640x128xf32, #tpu.memory_space<hbm>> -> memref<640x128xf32, #tpu.memory_space<hbm>>
      %dma_start3A_17 = arith.constant 0 : i32
      %dma_start3A_18 = tpu.memref_slice %arg10[%mul3A_12, %dma_start3A_17] : memref<10240x128xf32, #tpu.memory_space<vmem_shared>> -> memref<640x128xf32, #tpu.memory_space<vmem_shared>>
      tpu.enqueue_dma source(%dma_start3A_18 : memref<640x128xf32, #tpu.memory_space<vmem_shared>>) target(%dma_start3A_16 : memref<640x128xf32, #tpu.memory_space<hbm>>) target_semaphore(%run_scoped3A : memref<!tpu.dma_semaphore, #tpu.memory_space<semaphore_mem>>)
      %dma_wait3A = arith.constant 0 : i32
      %dma_wait3A_19 = tpu.memref_slice %arg5[%arg0, %mul3A_14, %dma_wait3A] : memref<2x10240x128xf32, #tpu.memory_space<hbm>> -> memref<1x640x128xf32, #tpu.memory_space<hbm>>
      %dma_wait3A_20 = tpu.memref_squeeze %dma_wait3A_19 : memref<1x640x128xf32, #tpu.memory_space<hbm>> -> memref<640x128xf32, #tpu.memory_space<hbm>>
      %dma_wait3A_21 = arith.constant 0 : i32
      %dma_wait3A_22 = tpu.memref_slice %arg10[%mul3A_12, %dma_wait3A_21] : memref<10240x128xf32, #tpu.memory_space<vmem_shared>> -> memref<640x128xf32, #tpu.memory_space<vmem_shared>>
      tpu.wait_dma2 semaphore(%run_scoped3A : memref<!tpu.dma_semaphore, #tpu.memory_space<semaphore_mem>>) src(%dma_wait3A_22 : memref<640x128xf32, #tpu.memory_space<vmem_shared>>) dst(%dma_wait3A_20 : memref<640x128xf32, #tpu.memory_space<hbm>>)
      tpu.yield
    }) : () -> ()
    return
  }
}

module attributes {stable_mosaic.version = 14 : i64} {
  func.func @_entry_body(%arg0: i32, %arg1: i32, %arg2: memref<1x2048x128xf32, #tpu.memory_space<vmem>>, %arg3: memref<2x2048x1xf32, #tpu.memory_space<vmem>>, %arg4: memref<128x128xf32, #tpu.memory_space<vmem>>, %arg5: memref<1x128xf32, #tpu.memory_space<vmem>>, %arg6: memref<1x2048x128xf32, #tpu.memory_space<vmem>>) attributes {dimension_semantics = [#tpu.dimension_semantics<arbitrary>, #tpu.dimension_semantics<arbitrary>], iteration_bounds = array<i64: 2, 5>, scalar_prefetch = 0 : i64, scratch_operands = 0 : i64, tpu.core_type = #tpu.core_type<tc>, window_params = [{transform_indices = @transform_0, window_bounds = array<i64: 1, 2048, 128>}, {transform_indices = @transform_1, window_bounds = array<i64: 2, 2048, 1>}, {pipeline_mode = #tpu.pipeline_mode<synchronous>, transform_indices = @transform_2, window_bounds = array<i64: 128, 128>}, {pipeline_mode = #tpu.pipeline_mode<synchronous>, transform_indices = @transform_3, window_bounds = array<i64: 1, 128>}, {transform_indices = @transform_4, window_bounds = array<i64: 1, 2048, 128>}]} {
    %get3A = arith.constant 0 : index
    %get3A_0 = arith.constant 0 : index
    %get3A_1 = arith.constant 0 : index
    %get3A_2 = vector.load %arg3[%get3A, %get3A_0, %get3A_1] : memref<2x2048x1xf32, #tpu.memory_space<vmem>>, vector<1x2048x1xf32>
    %get3A_3 = vector.shape_cast %get3A_2 : vector<1x2048x1xf32> to vector<2048xf32>
    %get3A_4 = arith.constant 1 : index
    %get3A_5 = arith.constant 0 : index
    %get3A_6 = arith.constant 0 : index
    %get3A_7 = vector.load %arg3[%get3A_4, %get3A_5, %get3A_6] : memref<2x2048x1xf32, #tpu.memory_space<vmem>>, vector<1x2048x1xf32>
    %get3A_8 = vector.shape_cast %get3A_7 : vector<1x2048x1xf32> to vector<2048xf32>
    %add3A = arith.addf %get3A_3, %get3A_8 : vector<2048xf32>
    %add3A_9 = arith.constant 1.000000e+00 : f32
    %add3A_10 = vector.broadcast %add3A_9 : f32 to vector<2048xf32>
    %add3A_11 = arith.addf %add3A, %add3A_10 : vector<2048xf32>
    %max3A = arith.constant 1.000000e+00 : f32
    %max3A_12 = vector.broadcast %max3A : f32 to vector<2048xf32>
    %max3A_13 = arith.maximumf %add3A_11, %max3A_12 : vector<2048xf32>
    %rsqrt3A = math.rsqrt %max3A_13 : vector<2048xf32>
    %mul3A = arith.constant 5.000000e-01 : f32
    %mul3A_14 = vector.broadcast %mul3A : f32 to vector<2048xf32>
    %mul3A_15 = arith.mulf %mul3A_14, %max3A_13 : vector<2048xf32>
    %mul3A_16 = arith.mulf %mul3A_15, %rsqrt3A : vector<2048xf32>
    %mul3A_17 = arith.mulf %mul3A_16, %rsqrt3A : vector<2048xf32>
    %sub3A = arith.constant 1.500000e+00 : f32
    %sub3A_18 = vector.broadcast %sub3A : f32 to vector<2048xf32>
    %sub3A_19 = arith.subf %sub3A_18, %mul3A_17 : vector<2048xf32>
    %mul3A_20 = arith.mulf %rsqrt3A, %sub3A_19 : vector<2048xf32>
    %get3A_21 = arith.constant 0 : index
    %get3A_22 = arith.constant 0 : index
    %get3A_23 = arith.constant 0 : index
    %get3A_24 = vector.load %arg2[%get3A_21, %get3A_22, %get3A_23] : memref<1x2048x128xf32, #tpu.memory_space<vmem>>, vector<1x2048x128xf32>
    %get3A_25 = vector.shape_cast %get3A_24 : vector<1x2048x128xf32> to vector<2048x128xf32>
    %get3A_26 = arith.constant 0 : index
    %get3A_27 = arith.constant 0 : index
    %get3A_28 = vector.load %arg4[%get3A_26, %get3A_27] : memref<128x128xf32, #tpu.memory_space<vmem>>, vector<128x128xf32>
    %dot_general3A = arith.constant dense<0.000000e+00> : vector<2048x128xf32>
    %dot_general3A_29 = tpu.matmul %get3A_25, %get3A_28, %dot_general3A {dimension_numbers = #tpu.dot_dimension_numbers<[1], [0], [0], [1], [0, 0, 1, 1], [], []>, precision = #tpu.contract_precision<fp32>, transpose_lhs_hint = false} : vector<2048x128xf32>, vector<128x128xf32>, vector<2048x128xf32> -> vector<2048x128xf32>
    %get3A_30 = arith.constant 0 : index
    %get3A_31 = arith.constant 0 : index
    %get3A_32 = vector.load %arg5[%get3A_30, %get3A_31] : memref<1x128xf32, #tpu.memory_space<vmem>>, vector<1x128xf32>
    %get3A_33 = vector.shape_cast %get3A_32 : vector<1x128xf32> to vector<128xf32>
    %broadcast_in_dim3A = vector.shape_cast %get3A_33 : vector<128xf32> to vector<1x128xf32>
    %add3A_34 = vector.broadcast %broadcast_in_dim3A : vector<1x128xf32> to vector<2048x128xf32>
    %add3A_35 = arith.addf %dot_general3A_29, %add3A_34 : vector<2048x128xf32>
    %broadcast_in_dim3A_36 = vector.shape_cast %mul3A_20 : vector<2048xf32> to vector<2048x1xf32>
    %mul3A_37 = vector.broadcast %broadcast_in_dim3A_36 : vector<2048x1xf32> to vector<2048x128xf32>
    %mul3A_38 = arith.mulf %add3A_35, %mul3A_37 : vector<2048x128xf32>
    %swap3A = arith.constant 0 : index
    %swap3A_39 = arith.constant 0 : index
    %swap3A_40 = arith.constant 0 : index
    %swap3A_41 = vector.load %arg6[%swap3A, %swap3A_39, %swap3A_40] : memref<1x2048x128xf32, #tpu.memory_space<vmem>>, vector<1x2048x128xf32>
    %swap3A_42 = vector.shape_cast %swap3A_41 : vector<1x2048x128xf32> to vector<2048x128xf32>
    %swap3A_43 = vector.shape_cast %mul3A_38 : vector<2048x128xf32> to vector<1x2048x128xf32>
    tpu.vector_store %arg6[%swap3A, %swap3A_39, %swap3A_40], %swap3A_43 {strides = array<i32>} : memref<1x2048x128xf32, #tpu.memory_space<vmem>>, vector<1x2048x128xf32>,
    return
  }
  func.func @transform_0(%arg0: i32, %arg1: i32) -> (i32, i32, i32) {
    %c0_i32 = arith.constant 0 : i32
    %c0_i32_0 = arith.constant 0 : i32
    return %arg0, %arg1, %c0_i32 : i32, i32, i32
  }
  func.func @transform_1(%arg0: i32, %arg1: i32) -> (i32, i32, i32) {
    %c0_i32 = arith.constant 0 : i32
    %c0_i32_0 = arith.constant 0 : i32
    %c0_i32_1 = arith.constant 0 : i32
    return %c0_i32, %arg1, %c0_i32_0 : i32, i32, i32
  }
  func.func @transform_2(%arg0: i32, %arg1: i32) -> (i32, i32) {
    %c0_i32 = arith.constant 0 : i32
    %c0_i32_0 = arith.constant 0 : i32
    %c0_i32_1 = arith.constant 0 : i32
    return %c0_i32, %c0_i32_0 : i32, i32
  }
  func.func @transform_3(%arg0: i32, %arg1: i32) -> (i32, i32) {
    %c0_i32 = arith.constant 0 : i32
    %c0_i32_0 = arith.constant 0 : i32
    %c0_i32_1 = arith.constant 0 : i32
    return %c0_i32, %c0_i32_0 : i32, i32
  }
  func.func @transform_4(%arg0: i32, %arg1: i32) -> (i32, i32, i32) {
    %c0_i32 = arith.constant 0 : i32
    %c0_i32_0 = arith.constant 0 : i32
    return %arg0, %arg1, %c0_i32 : i32, i32, i32
  }
}

module attributes {stable_mosaic.version = 14 : i64} {
  func.func @_mid_body(%arg0: i32, %arg1: i32, %arg2: memref<1x2048x128xf32, #tpu.memory_space<vmem>>, %arg3: memref<2x2048x1xf32, #tpu.memory_space<vmem>>, %arg4: memref<128x128xf32, #tpu.memory_space<vmem>>, %arg5: memref<1x128xf32, #tpu.memory_space<vmem>>, %arg6: memref<1x1xf32, #tpu.memory_space<vmem>>, %arg7: memref<1x2048x128xf32, #tpu.memory_space<vmem>>) attributes {dimension_semantics = [#tpu.dimension_semantics<arbitrary>, #tpu.dimension_semantics<arbitrary>], iteration_bounds = array<i64: 2, 5>, scalar_prefetch = 0 : i64, scratch_operands = 0 : i64, tpu.core_type = #tpu.core_type<tc>, window_params = [{transform_indices = @transform_0, window_bounds = array<i64: 1, 2048, 128>}, {transform_indices = @transform_1, window_bounds = array<i64: 2, 2048, 1>}, {pipeline_mode = #tpu.pipeline_mode<synchronous>, transform_indices = @transform_2, window_bounds = array<i64: 128, 128>}, {pipeline_mode = #tpu.pipeline_mode<synchronous>, transform_indices = @transform_3, window_bounds = array<i64: 1, 128>}, {pipeline_mode = #tpu.pipeline_mode<synchronous>, transform_indices = @transform_4, window_bounds = array<i64: 1, 1>}, {transform_indices = @transform_5, window_bounds = array<i64: 1, 2048, 128>}]} {
    %get3A = arith.constant 0 : index
    %get3A_0 = arith.constant 0 : index
    %get3A_1 = arith.constant 0 : index
    %get3A_2 = vector.load %arg3[%get3A, %get3A_0, %get3A_1] : memref<2x2048x1xf32, #tpu.memory_space<vmem>>, vector<1x2048x1xf32>
    %get3A_3 = vector.shape_cast %get3A_2 : vector<1x2048x1xf32> to vector<2048xf32>
    %get3A_4 = arith.constant 1 : index
    %get3A_5 = arith.constant 0 : index
    %get3A_6 = arith.constant 0 : index
    %get3A_7 = vector.load %arg3[%get3A_4, %get3A_5, %get3A_6] : memref<2x2048x1xf32, #tpu.memory_space<vmem>>, vector<1x2048x1xf32>
    %get3A_8 = vector.shape_cast %get3A_7 : vector<1x2048x1xf32> to vector<2048xf32>
    %add3A = arith.addf %get3A_3, %get3A_8 : vector<2048xf32>
    %add3A_9 = arith.constant 1.000000e+00 : f32
    %add3A_10 = vector.broadcast %add3A_9 : f32 to vector<2048xf32>
    %add3A_11 = arith.addf %add3A, %add3A_10 : vector<2048xf32>
    %max3A = arith.constant 1.000000e+00 : f32
    %max3A_12 = vector.broadcast %max3A : f32 to vector<2048xf32>
    %max3A_13 = arith.maximumf %add3A_11, %max3A_12 : vector<2048xf32>
    %rsqrt3A = math.rsqrt %max3A_13 : vector<2048xf32>
    %mul3A = arith.constant 5.000000e-01 : f32
    %mul3A_14 = vector.broadcast %mul3A : f32 to vector<2048xf32>
    %mul3A_15 = arith.mulf %mul3A_14, %max3A_13 : vector<2048xf32>
    %mul3A_16 = arith.mulf %mul3A_15, %rsqrt3A : vector<2048xf32>
    %mul3A_17 = arith.mulf %mul3A_16, %rsqrt3A : vector<2048xf32>
    %sub3A = arith.constant 1.500000e+00 : f32
    %sub3A_18 = vector.broadcast %sub3A : f32 to vector<2048xf32>
    %sub3A_19 = arith.subf %sub3A_18, %mul3A_17 : vector<2048xf32>
    %mul3A_20 = arith.mulf %rsqrt3A, %sub3A_19 : vector<2048xf32>
    %get3A_21 = arith.constant 0 : index
    %get3A_22 = arith.constant 0 : index
    %get3A_23 = arith.constant 0 : index
    %get3A_24 = vector.load %arg2[%get3A_21, %get3A_22, %get3A_23] : memref<1x2048x128xf32, #tpu.memory_space<vmem>>, vector<1x2048x128xf32>
    %get3A_25 = vector.shape_cast %get3A_24 : vector<1x2048x128xf32> to vector<2048x128xf32>
    %broadcast_in_dim3A = vector.shape_cast %mul3A_20 : vector<2048xf32> to vector<2048x1xf32>
    %mul3A_26 = vector.broadcast %broadcast_in_dim3A : vector<2048x1xf32> to vector<2048x128xf32>
    %mul3A_27 = arith.mulf %get3A_25, %mul3A_26 : vector<2048x128xf32>
    %ge3A = arith.constant 0.000000e+00 : f32
    %ge3A_28 = vector.broadcast %ge3A : f32 to vector<2048x128xf32>
    %ge3A_29 = arith.cmpf oge, %mul3A_27, %ge3A_28 : vector<2048x128xf32>
    %get3A_30 = arith.constant 0 : index
    %get3A_31 = arith.constant 0 : index
    %get3A_32 = vector.load %arg6[%get3A_30, %get3A_31] : memref<1x1xf32, #tpu.memory_space<vmem>>, vector<1x1xf32>
    %get3A_33 = vector.extract %get3A_32[0, 0] : f32 from vector<1x1xf32>
    %mul3A_34 = vector.broadcast %get3A_33 : f32 to vector<2048x128xf32>
    %mul3A_35 = arith.mulf %mul3A_34, %mul3A_27 : vector<2048x128xf32>
    %select_n3A = arith.select %ge3A_29, %mul3A_27, %mul3A_35 : vector<2048x128xi1>, vector<2048x128xf32>
    %get3A_36 = arith.constant 0 : index
    %get3A_37 = arith.constant 0 : index
    %get3A_38 = vector.load %arg4[%get3A_36, %get3A_37] : memref<128x128xf32, #tpu.memory_space<vmem>>, vector<128x128xf32>
    %dot_general3A = arith.constant dense<0.000000e+00> : vector<2048x128xf32>
    %dot_general3A_39 = tpu.matmul %select_n3A, %get3A_38, %dot_general3A {dimension_numbers = #tpu.dot_dimension_numbers<[1], [0], [0], [1], [0, 0, 1, 1], [], []>, precision = #tpu.contract_precision<fp32>, transpose_lhs_hint = false} : vector<2048x128xf32>, vector<128x128xf32>, vector<2048x128xf32> -> vector<2048x128xf32>
    %get3A_40 = arith.constant 0 : index
    %get3A_41 = arith.constant 0 : index
    %get3A_42 = vector.load %arg5[%get3A_40, %get3A_41] : memref<1x128xf32, #tpu.memory_space<vmem>>, vector<1x128xf32>
    %get3A_43 = vector.shape_cast %get3A_42 : vector<1x128xf32> to vector<128xf32>
    %broadcast_in_dim3A_44 = vector.shape_cast %get3A_43 : vector<128xf32> to vector<1x128xf32>
    %add3A_45 = vector.broadcast %broadcast_in_dim3A_44 : vector<1x128xf32> to vector<2048x128xf32>
    %add3A_46 = arith.addf %dot_general3A_39, %add3A_45 : vector<2048x128xf32>
    %broadcast_in_dim3A_47 = vector.shape_cast %mul3A_20 : vector<2048xf32> to vector<2048x1xf32>
    %mul3A_48 = vector.broadcast %broadcast_in_dim3A_47 : vector<2048x1xf32> to vector<2048x128xf32>
    %mul3A_49 = arith.mulf %add3A_46, %mul3A_48 : vector<2048x128xf32>
    %swap3A = arith.constant 0 : index
    %swap3A_50 = arith.constant 0 : index
    %swap3A_51 = arith.constant 0 : index
    %swap3A_52 = vector.load %arg7[%swap3A, %swap3A_50, %swap3A_51] : memref<1x2048x128xf32, #tpu.memory_space<vmem>>, vector<1x2048x128xf32>
    %swap3A_53 = vector.shape_cast %swap3A_52 : vector<1x2048x128xf32> to vector<2048x128xf32>
    %swap3A_54 = vector.shape_cast %mul3A_49 : vector<2048x128xf32> to vector<1x2048x128xf32>
    tpu.vector_store %arg7[%swap3A, %swap3A_50, %swap3A_51], %swap3A_54 {strides = array<i32>} : memref<1x2048x128xf32, #tpu.memory_space<vmem>>, vector<1x2048x128xf32>,
    return
  }
  func.func @transform_0(%arg0: i32, %arg1: i32) -> (i32, i32, i32) {
    %c0_i32 = arith.constant 0 : i32
    %c0_i32_0 = arith.constant 0 : i32
    return %arg0, %arg1, %c0_i32 : i32, i32, i32
  }
  func.func @transform_1(%arg0: i32, %arg1: i32) -> (i32, i32, i32) {
    %c0_i32 = arith.constant 0 : i32
    %c0_i32_0 = arith.constant 0 : i32
    %c0_i32_1 = arith.constant 0 : i32
    return %c0_i32, %arg1, %c0_i32_0 : i32, i32, i32
  }
  func.func @transform_2(%arg0: i32, %arg1: i32) -> (i32, i32) {
    %c0_i32 = arith.constant 0 : i32
    %c0_i32_0 = arith.constant 0 : i32
    %c0_i32_1 = arith.constant 0 : i32
    return %c0_i32, %c0_i32_0 : i32, i32
  }
  func.func @transform_3(%arg0: i32, %arg1: i32) -> (i32, i32) {
    %c0_i32 = arith.constant 0 : i32
    %c0_i32_0 = arith.constant 0 : i32
    %c0_i32_1 = arith.constant 0 : i32
    return %c0_i32, %c0_i32_0 : i32, i32
  }
  func.func @transform_4(%arg0: i32, %arg1: i32) -> (i32, i32) {
    %c0_i32 = arith.constant 0 : i32
    %c0_i32_0 = arith.constant 0 : i32
    %c0_i32_1 = arith.constant 0 : i32
    return %c0_i32, %c0_i32_0 : i32, i32
  }
  func.func @transform_5(%arg0: i32, %arg1: i32) -> (i32, i32, i32) {
    %c0_i32 = arith.constant 0 : i32
    %c0_i32_0 = arith.constant 0 : i32
    return %arg0, %arg1, %c0_i32 : i32, i32, i32
  }
}

module attributes {stable_mosaic.version = 14 : i64} {
  func.func @_final_body(%arg0: memref<2x10240x128xf32, #tpu.memory_space<vmem>>, %arg1: memref<2x10240x1xf32, #tpu.memory_space<vmem>>, %arg2: memref<128x128xf32, #tpu.memory_space<vmem>>, %arg3: memref<1x1xf32, #tpu.memory_space<vmem>>, %arg4: memref<1x1xf32, #tpu.memory_space<vmem>>, %arg5: memref<2x10240x1xf32, #tpu.memory_space<vmem>>) attributes {dimension_semantics = [], scalar_prefetch = 0 : i64, scratch_operands = 0 : i64, tpu.core_type = #tpu.core_type<tc>} {
    %get3A = arith.constant 0 : index
    %get3A_0 = arith.constant 0 : index
    %get3A_1 = arith.constant 0 : index
    %get3A_2 = vector.load %arg1[%get3A, %get3A_0, %get3A_1] : memref<2x10240x1xf32, #tpu.memory_space<vmem>>, vector<1x10240x1xf32>
    %get3A_3 = vector.shape_cast %get3A_2 : vector<1x10240x1xf32> to vector<10240xf32>
    %get3A_4 = arith.constant 1 : index
    %get3A_5 = arith.constant 0 : index
    %get3A_6 = arith.constant 0 : index
    %get3A_7 = vector.load %arg1[%get3A_4, %get3A_5, %get3A_6] : memref<2x10240x1xf32, #tpu.memory_space<vmem>>, vector<1x10240x1xf32>
    %get3A_8 = vector.shape_cast %get3A_7 : vector<1x10240x1xf32> to vector<10240xf32>
    %add3A = arith.addf %get3A_3, %get3A_8 : vector<10240xf32>
    %add3A_9 = arith.constant 1.000000e+00 : f32
    %add3A_10 = vector.broadcast %add3A_9 : f32 to vector<10240xf32>
    %add3A_11 = arith.addf %add3A, %add3A_10 : vector<10240xf32>
    %max3A = arith.constant 1.000000e+00 : f32
    %max3A_12 = vector.broadcast %max3A : f32 to vector<10240xf32>
    %max3A_13 = arith.maximumf %add3A_11, %max3A_12 : vector<10240xf32>
    %rsqrt3A = math.rsqrt %max3A_13 : vector<10240xf32>
    %mul3A = arith.constant 5.000000e-01 : f32
    %mul3A_14 = vector.broadcast %mul3A : f32 to vector<10240xf32>
    %mul3A_15 = arith.mulf %mul3A_14, %max3A_13 : vector<10240xf32>
    %mul3A_16 = arith.mulf %mul3A_15, %rsqrt3A : vector<10240xf32>
    %mul3A_17 = arith.mulf %mul3A_16, %rsqrt3A : vector<10240xf32>
    %sub3A = arith.constant 1.500000e+00 : f32
    %sub3A_18 = vector.broadcast %sub3A : f32 to vector<10240xf32>
    %sub3A_19 = arith.subf %sub3A_18, %mul3A_17 : vector<10240xf32>
    %mul3A_20 = arith.mulf %rsqrt3A, %sub3A_19 : vector<10240xf32>
    %get3A_21 = arith.constant 0 : index
    %get3A_22 = arith.constant 0 : index
    %get3A_23 = vector.load %arg3[%get3A_21, %get3A_22] : memref<1x1xf32, #tpu.memory_space<vmem>>, vector<1x1xf32>
    %get3A_24 = vector.extract %get3A_23[0, 0] : f32 from vector<1x1xf32>
    %get3A_25 = arith.constant 0 : index
    %get3A_26 = arith.constant 0 : index
    %get3A_27 = arith.constant 0 : index
    %get3A_28 = vector.load %arg0[%get3A_25, %get3A_26, %get3A_27] : memref<2x10240x128xf32, #tpu.memory_space<vmem>>, vector<1x10240x128xf32>
    %get3A_29 = vector.shape_cast %get3A_28 : vector<1x10240x128xf32> to vector<10240x128xf32>
    %broadcast_in_dim3A = vector.shape_cast %mul3A_20 : vector<10240xf32> to vector<10240x1xf32>
    %mul3A_30 = vector.broadcast %broadcast_in_dim3A : vector<10240x1xf32> to vector<10240x128xf32>
    %mul3A_31 = arith.mulf %get3A_29, %mul3A_30 : vector<10240x128xf32>
    %ge3A = arith.constant 0.000000e+00 : f32
    %ge3A_32 = vector.broadcast %ge3A : f32 to vector<10240x128xf32>
    %ge3A_33 = arith.cmpf oge, %mul3A_31, %ge3A_32 : vector<10240x128xf32>
    %mul3A_34 = vector.broadcast %get3A_24 : f32 to vector<10240x128xf32>
    %mul3A_35 = arith.mulf %mul3A_34, %mul3A_31 : vector<10240x128xf32>
    %select_n3A = arith.select %ge3A_33, %mul3A_31, %mul3A_35 : vector<10240x128xi1>, vector<10240x128xf32>
    %get3A_36 = arith.constant 1 : index
    %get3A_37 = arith.constant 0 : index
    %get3A_38 = arith.constant 0 : index
    %get3A_39 = vector.load %arg0[%get3A_36, %get3A_37, %get3A_38] : memref<2x10240x128xf32, #tpu.memory_space<vmem>>, vector<1x10240x128xf32>
    %get3A_40 = vector.shape_cast %get3A_39 : vector<1x10240x128xf32> to vector<10240x128xf32>
    %broadcast_in_dim3A_41 = vector.shape_cast %mul3A_20 : vector<10240xf32> to vector<10240x1xf32>
    %mul3A_42 = vector.broadcast %broadcast_in_dim3A_41 : vector<10240x1xf32> to vector<10240x128xf32>
    %mul3A_43 = arith.mulf %get3A_40, %mul3A_42 : vector<10240x128xf32>
    %ge3A_44 = arith.constant 0.000000e+00 : f32
    %ge3A_45 = vector.broadcast %ge3A_44 : f32 to vector<10240x128xf32>
    %ge3A_46 = arith.cmpf oge, %mul3A_43, %ge3A_45 : vector<10240x128xf32>
    %mul3A_47 = vector.broadcast %get3A_24 : f32 to vector<10240x128xf32>
    %mul3A_48 = arith.mulf %mul3A_47, %mul3A_43 : vector<10240x128xf32>
    %select_n3A_49 = arith.select %ge3A_46, %mul3A_43, %mul3A_48 : vector<10240x128xi1>, vector<10240x128xf32>
    %iota3A = tpu.iota {dimensions = array<i32: 0>} : vector<10240x128xi32>
    %lt3A = arith.constant 10000 : i32
    %lt3A_50 = vector.broadcast %lt3A : i32 to vector<10240x128xi32>
    %lt3A_51 = arith.cmpi slt, %iota3A, %lt3A_50 : vector<10240x128xi32>
    %jit3A = arith.constant 0.000000e+00 : f32
    %broadcast_in_dim3A_52 = vector.broadcast %jit3A : f32 to vector<10240x128xf32>
    %select_n3A_53 = arith.select %lt3A_51, %select_n3A, %broadcast_in_dim3A_52 : vector<10240x128xi1>, vector<10240x128xf32>
    %reduce_sum3A = arith.constant dense<0.000000e+00> : vector<128xf32>
    %reduce_sum3A_54 = vector.multi_reduction <add>, %select_n3A_53, %reduce_sum3A [0] : vector<10240x128xf32> to vector<128xf32>
    %broadcast_in_dim3A_55 = vector.shape_cast %reduce_sum3A_54 : vector<128xf32> to vector<1x128xf32>
    %mul3A_56 = arith.constant 9.99999974E-5 : f32
    %mul3A_57 = vector.broadcast %mul3A_56 : f32 to vector<1x128xf32>
    %mul3A_58 = arith.mulf %broadcast_in_dim3A_55, %mul3A_57 : vector<1x128xf32>
    %logistic3A = arith.negf %mul3A_58 : vector<1x128xf32>
    %logistic3A_59 = math.exp %logistic3A : vector<1x128xf32>
    %logistic3A_60 = arith.constant 1.000000e+00 : f32
    %logistic3A_61 = vector.broadcast %logistic3A_60 : f32 to vector<1x128xf32>
    %logistic3A_62 = arith.addf %logistic3A_61, %logistic3A_59 : vector<1x128xf32>
    %logistic3A_63 = arith.divf %logistic3A_61, %logistic3A_62 : vector<1x128xf32>
    %get3A_64 = arith.constant 0 : index
    %get3A_65 = arith.constant 0 : index
    %get3A_66 = vector.load %arg2[%get3A_64, %get3A_65] : memref<128x128xf32, #tpu.memory_space<vmem>>, vector<128x128xf32>
    %dot_general3A = arith.constant dense<0.000000e+00> : vector<128x1xf32>
    %dot_general3A_67 = tpu.matmul %get3A_66, %logistic3A_63, %dot_general3A {dimension_numbers = #tpu.dot_dimension_numbers<[1], [1], [0], [0], [0, 0, 1, 0], [], []>, precision = #tpu.contract_precision<fp32>, transpose_lhs_hint = false} : vector<128x128xf32>, vector<1x128xf32>, vector<128x1xf32> -> vector<128x1xf32>
    %get3A_68 = arith.constant 0 : index
    %get3A_69 = arith.constant 0 : index
    %get3A_70 = vector.load %arg4[%get3A_68, %get3A_69] : memref<1x1xf32, #tpu.memory_space<vmem>>, vector<1x1xf32>
    %get3A_71 = vector.extract %get3A_70[0, 0] : f32 from vector<1x1xf32>
    %dot_general3A_72 = arith.constant dense<0.000000e+00> : vector<10240x1xf32>
    %dot_general3A_73 = tpu.matmul %select_n3A, %dot_general3A_67, %dot_general3A_72 {dimension_numbers = #tpu.dot_dimension_numbers<[1], [0], [0], [1], [0, 0, 1, 1], [], []>, precision = #tpu.contract_precision<fp32>, transpose_lhs_hint = false} : vector<10240x128xf32>, vector<128x1xf32>, vector<10240x1xf32> -> vector<10240x1xf32>
    %add3A_74 = vector.broadcast %get3A_71 : f32 to vector<10240x1xf32>
    %add3A_75 = arith.addf %dot_general3A_73, %add3A_74 : vector<10240x1xf32>
    %swap3A = arith.constant 0 : index
    %swap3A_76 = arith.constant 0 : index
    %swap3A_77 = arith.constant 0 : index
    %swap3A_78 = vector.load %arg5[%swap3A, %swap3A_76, %swap3A_77] : memref<2x10240x1xf32, #tpu.memory_space<vmem>>, vector<1x10240x1xf32>
    %swap3A_79 = vector.shape_cast %swap3A_78 : vector<1x10240x1xf32> to vector<10240x1xf32>
    %swap3A_80 = vector.shape_cast %add3A_75 : vector<10240x1xf32> to vector<1x10240x1xf32>
    tpu.vector_store %arg5[%swap3A, %swap3A_76, %swap3A_77], %swap3A_80 {strides = array<i32>} : memref<2x10240x1xf32, #tpu.memory_space<vmem>>, vector<1x10240x1xf32>,
    %dot_general3A_81 = arith.constant dense<0.000000e+00> : vector<10240x1xf32>
    %dot_general3A_82 = tpu.matmul %select_n3A_49, %dot_general3A_67, %dot_general3A_81 {dimension_numbers = #tpu.dot_dimension_numbers<[1], [0], [0], [1], [0, 0, 1, 1], [], []>, precision = #tpu.contract_precision<fp32>, transpose_lhs_hint = false} : vector<10240x128xf32>, vector<128x1xf32>, vector<10240x1xf32> -> vector<10240x1xf32>
    %add3A_83 = vector.broadcast %get3A_71 : f32 to vector<10240x1xf32>
    %add3A_84 = arith.addf %dot_general3A_82, %add3A_83 : vector<10240x1xf32>
    %swap3A_85 = arith.constant 1 : index
    %swap3A_86 = arith.constant 0 : index
    %swap3A_87 = arith.constant 0 : index
    %swap3A_88 = vector.load %arg5[%swap3A_85, %swap3A_86, %swap3A_87] : memref<2x10240x1xf32, #tpu.memory_space<vmem>>, vector<1x10240x1xf32>
    %swap3A_89 = vector.shape_cast %swap3A_88 : vector<1x10240x1xf32> to vector<10240x1xf32>
    %swap3A_90 = vector.shape_cast %add3A_84 : vector<10240x1xf32> to vector<1x10240x1xf32>
    tpu.vector_store %arg5[%swap3A_85, %swap3A_86, %swap3A_87], %swap3A_90 {strides = array<i32>} : memref<2x10240x1xf32, #tpu.memory_space<vmem>>, vector<1x10240x1xf32>,
    return
  }
}

</mosaic_0001>

<sc_bundles>
// kernel: kernel.10.cloned.1.call-start
scs
__scs_entry_jumppad:
0x0: {  	(pc) =	sbr.rel $0x88, $3  }
0x1: {  	(tag) =	ssettag $0x0;
	lr =	simm.s32 $0x1  }
0x2: {  	[smem:$0x3F95] =	sst lr;
	_ =	strace $0xD0000000  }
0x3: {  	_ = 	snop  }
0x4: {  	_ = 	snop  }
0x5: {  	_ = 	snop  }
0x6: {  	_ = 	snop  }
0x7: {  	_ = 	snop  }
__scs_overlays_trampoline_lowered:
0x8: {  	[smem:$0x3FA4] =	sst s0  }
0x9: {  	[smem:$0x3FA5] =	sst s1  }
0xa: {  	[smem:$0x3FA6] =	sst s2  }
0xb: {  	[smem:$0x3FA7] =	sst s3  }
0xc: {  	[smem:$0x3FA8] =	sst s4  }
0xd: {  	[smem:$0x3FA9] =	sst s5  }
0xe: {  	[smem:$0x3FAA] =	sst s6  }
0xf: {  	[smem:$0x3FAB] =	sst s7  }
0x10: {  	[smem:$0x3FAC] =	sst s8  }
0x11: {  	[smem:$0x3FAD] =	sst s9;
	s0 =	simm.s32 @!p0 $0x0  }
0x12: {  	s1 =	sld [smem:$0x3F93];
	s0 =	simm.s32 @p0 $0x1  }
0x13: {  	[smem:$0x3FAE] =	sst s0;
	s0 =	simm.s32 @!p1 $0x0  }
0x14: {  	s2 =	sld [smem:$0x3F92];
	s0 =	simm.s32 @p1 $0x1  }
0x15: {  	[smem:$0x3FAF] =	sst s0;
	s0 =	simm.s32 @!p2 $0x0  }
0x16: {  	s3 =	sld [smem:$0x3FDB];
	s0 =	simm.s32 @p2 $0x1  }
0x17: {  	s4 =	simm.s32 $0x1BF5;
	[smem:$0x3FB1] =	sst s0  }
0x18: {  	s0 =	sld [smem:$0x3F94];
	_ =	swait.ge [sflag:s4], $0x0  }
0x19: {  	s7 =	sld [smem:$0x3F95]  }
0x1a: {  	s8 =	sadd.s32 $0xFFFFE003, lr  }
0x1b: {  	s9 =	sadd.s32 $0xFFFFFEF7, lr;
	s5 =	simm.s32 $0xFFFFFFFF;
	p2 =	slt.u32 s8, $0xFFFFF086  }
0x1c: {  	p1 =	slt.u32 s9, $0xF7A;
	s5 =	simm.s32 @!p2 $0x0  }
0x1d: {  	s5 =	simm.s32 @p1 $0x1;
	p0 =	seq.s32 s7, s2  }
0x1e: {  	s7 =	smul.u32 @!p0 $0xF7A, s2;
	p2 =	seq.s32 @!p0 s5, $0x0  }
0x1f: {  	s9 =	smul.u32 $0xF7A, s1;
	s8 =	simm.s32 @!p0 $0x1BF5;
	p2 =	por !p2, p0  }
0x20: {  	[sflag:s8] =	ssyncset.s32 @!p0 $0xFFFFF086;
	s6 =	sadd.s32 @!p0 s3, s7;
	s7 =	simm.s32 @!p0 $0x108  }
0x21: {  	s3 =	sadd.s32 s3, s9;
	s6 =	sadd.s32 @!p0 $0x88, s6;
	s7 =	simm.s32 @p2 $0x1082  }
0x22: {  	[simem:s7], [sflag:s8] =	dma.local @!p0 [hbm:s6], $0xF7A  }
0x23: {  	s9 =	sor.u32 $0xD0000000, s2;
	s6 =	simm.s32 $0x108;
	_ =	swait.ge @!p0 [sflag:s8], $0x0  }
0x24: {  	s3 =	sadd.s32 $0x88, s3;
	s6 =	simm.s32 @!p1 $0x1082;
	[sflag:s4] =	ssyncset.s32 $0xFFFFF086  }
0x25: {  	[simem:s6], [sflag:s4] =	dma.local [hbm:s3], $0xF7A  }
0x26: {  	[smem:$0x3F95] =	sst s1;
	(tag) =	ssettag s2;
	_ =	strace s9  }
0x27: {  	s1 =	sld [smem:$0x3FA5]  }
0x28: {  	s2 =	sld [smem:$0x3FA6]  }
0x29: {  	s4 =	sld [smem:$0x3FA8]  }
0x2a: {  	p0 =	seq.s32 s5, $0x0;
	s5 =	sld [smem:$0x3FA9]  }
0x2b: {  	s6 =	sld [smem:$0x3FAA]  }
0x2c: {  	s7 =	sld [smem:$0x3FAB]  }
0x2d: {  	s3 =	simm.s32 $0x108;
	s8 =	sld [smem:$0x3FAC]  }
0x2e: {  	s3 =	simm.s32 @!p0 $0x1082;
	s9 =	sld [smem:$0x3FAD]  }
0x2f: {  	lr =	sadd.s32 s0, s3;
	s0 =	sld [smem:$0x3FA4]  }
0x30: {  	s3 =	sld [smem:$0x3FA7]  }
0x31: {  	[smem:$0x3FB0] =	sst s10  }
0x32: {  	s10 =	sld [smem:$0x3FAE];
	_ =	sdelay $0x3  }
0x33: {  	p0 =	seq.s32 s10, $0x1;
	s10 =	sld [smem:$0x3FB0];
	_ =	sdelay $0x3  }
0x34: {  	[smem:$0x3FB0] =	sst s10  }
0x35: {  	s10 =	sld [smem:$0x3FAF];
	_ =	sdelay $0x3  }
0x36: {  	p1 =	seq.s32 s10, $0x1;
	s10 =	sld [smem:$0x3FB0];
	_ =	sdelay $0x3  }
0x37: {  	[smem:$0x3FB0] =	sst s10  }
0x38: {  	s10 =	sld [smem:$0x3FB1]  }
0x39: {  	_ = 	snop;
	(pc) =	sbr.ind lr, $3  }
0x3a: {  	_ = 	snop  }
0x3b: {  	_ = 	snop  }
0x3c: {  	p2 =	seq.s32 s10, $0x1;
	s10 =	sld [smem:$0x3FB0]  }
0x3d: {  	_ =	shalt  }
0x3e: {  	_ =	shalt  }
0x3f: {  	_ =	shalt  }
0x40: {  	_ =	shalt  }
0x41: {  	_ =	shalt  }
0x42: {  	_ =	shalt  }
0x43: {  	_ =	shalt  }
0x44: {  	_ =	shalt  }
0x45: {  	_ =	shalt  }
0x46: {  	_ =	shalt  }
0x47: {  	_ =	shalt  }
0x48: {  	_ =	shalt  }
0x49: {  	_ =	shalt  }
0x4a: {  	_ =	shalt  }
0x4b: {  	_ =	shalt  }
0x4c: {  	_ =	shalt  }
0x4d: {  	_ =	shalt  }
0x4e: {  	_ =	shalt  }
0x4f: {  	_ =	shalt  }
0x50: {  	_ =	shalt  }
0x51: {  	_ =	shalt  }
0x52: {  	_ =	shalt  }
0x53: {  	_ =	shalt  }
0x54: {  	_ =	shalt  }
0x55: {  	_ =	shalt  }
0x56: {  	_ =	shalt  }
0x57: {  	_ =	shalt  }
0x58: {  	_ =	shalt  }
0x59: {  	_ =	shalt  }
0x5a: {  	_ =	shalt  }
0x5b: {  	_ =	shalt  }
0x5c: {  	_ =	shalt  }
0x5d: {  	_ =	shalt  }
0x5e: {  	_ =	shalt  }
0x5f: {  	_ =	shalt  }
0x60: {  	_ =	shalt  }
0x61: {  	_ =	shalt  }
0x62: {  	_ =	shalt  }
0x63: {  	_ =	shalt  }
0x64: {  	_ =	shalt  }
0x65: {  	_ =	shalt  }
0x66: {  	_ =	shalt  }
0x67: {  	_ =	shalt  }
0x68: {  	_ =	shalt  }
0x69: {  	_ =	shalt  }
0x6a: {  	_ =	shalt  }
0x6b: {  	_ =	shalt  }
0x6c: {  	_ =	shalt  }
0x6d: {  	_ =	shalt  }
0x6e: {  	_ =	shalt  }
0x6f: {  	_ =	shalt  }
0x70: {  	_ =	shalt  }
0x71: {  	_ =	shalt  }
0x72: {  	_ =	shalt  }
0x73: {  	_ =	shalt  }
0x74: {  	_ =	shalt  }
0x75: {  	_ =	shalt  }
0x76: {  	_ =	shalt  }
0x77: {  	_ =	shalt  }
0x78: {  	_ =	shalt  }
0x79: {  	_ =	shalt  }
0x7a: {  	_ =	shalt  }
0x7b: {  	_ =	shalt  }
0x7c: {  	_ =	shalt  }
0x7d: {  	_ =	shalt  }
0x7e: {  	_ =	shalt  }
0x7f: {  	_ =	shalt  }
0x80: {  	_ =	shalt  }
0x81: {  	_ =	shalt  }
0x82: {  	_ =	shalt  }
0x83: {  	_ =	shalt  }
0x84: {  	_ =	shalt  }
0x85: {  	_ =	shalt  }
0x86: {  	_ =	shalt  }
0x87: {  	_ =	shalt  }
.Lfunc_end0:
.L_simem_size_0:
called_computation_lowered:
.L_overlay_start_0:
0x88: {  	s2 =	sld [smem:$0x3FD9]  }
0x89: {  	s3 =	sld [smem:$0x3FFE];
	_ =	sdelay $0x1  }
0x8a: {  	s1 =	srdreg.scid  }
0x8b: {  	s0 =	sand.u32 $0x1, s1  }
0x8c: {  	s17 =	sshll.u32 s0, $0xA;
	s2 =	sadd.s32 s3, s2  }
0x8d: {  	s2 =	sadd.s32 s2, s17  }
0x8e: {  	[smem:$0x3FBC] =	sst s2  }
0x8f: {  	_ = 	snop  }
0x90: {  	s2 =	sld [smem:$0x3FD0];
	(tm) =	ssettm $0x1  }
0x91: {  	s18 =	sld [smem:$0x3FFB];
	_ =	sdelay $0x3  }
0x92: {  	_ =	strace s18  }
0x93: {  	s3 =	sld [smem:$0x3FFC];
	_ =	sdelay $0x3  }
0x94: {  	_ =	strace s3  }
0x95: {  	s3 =	sld [smem:$0x3FFD];
	_ =	sdelay $0x3  }
0x96: {  	_ =	strace s3  }
0x97: {  	_ =	strace $0x8FFFFFFF  }
0x98: {  	s19 =	sld [smem:$0x3FDB];
	_ =	sdelay $0x1  }
0x99: {  	s4 =	simm.s32 $_scs_section_size  }
0x9a: {  	s5 =	simm.s32 $_size__tile_overlayer_lowered;
	s6 =	simm.s32 $_tile_overlayer_lowered  }
0x9b: {  	s22 =	simm.s32 $0x1BFF;
	s21 =	sshll.u32 s6, $0x1;
	s3 =	sadd.s32 s4, s19  }
0x9c: {  	s7 =	simm.s32 $0x0;
	s20 =	sshll.u32 s5, $0x1;
	s5 =	sadd.s32 s21, s3  }
0x9d: {  	[timem:s7], [sflag:s22] =	dma.local [hbm:s5], s20  }
0x9e: {  	_ =	swait.ge [sflag:s22], s20  }
0x9f: {  	s4 =	ssub.s32 $0x0, s20;
	[sflag:s22] =	ssyncset.done $0x0  }
0xa0: {  	[sflag:s22] =	ssyncadd.s32 s4;
	_ =	sdelay $0x1  }
0xa1: {  	s23 =	simm.s32 $0x1B8B  }
0xa2: {  	_ =	swait.ge [sflag:s23], $0x1  }
0xa3: {  	[sflag:s23] =	ssyncset.done $0x0  }
0xa4: {  	s25 =	simm.s32 $0x1B8E;
	s24 =	sld [smem:$0x3FFE];
	[sflag:s23] =	ssyncadd.s32 $0xFFFFFFFF  }
0xa5: {  	s26 =	simm.s32 $execute0_lowered;
	[smem:$0x3FD2] =	sst s25  }
0xa6: {  	s5 =	sshll.u32 s26, $0x1;
	_ =	strace $0x80000046;
	[dreg:$0x1] =	wrdreg $0xFFFFFFFF  }
0xa7: {  	s28 =	simm.s32 $_size_execute0_lowered;
	s3 =	sadd.s32 s3, s5;
	[dreg:$0x0] =	wrdreg $0x0  }
0xa8: {  	s5 =	sshll.u32 s28, $0x1;
	[dreg:$0x2] =	wrdreg s3  }
0xa9: {  	[dreg:$0x3] =	wrdreg s5  }
0xaa: {  	[dreg:$0x4] =	wrdreg $0xC0  }
0xab: {  	_ =	task [dreg:s7], $0x5FFFF  }
0xac: {  	[dreg:$0x1] =	wrdreg $0xFFFFFFFF  }
0xad: {  	[dreg:$0x0] =	wrdreg $0x60  }
0xae: {  	[dreg:$0x2] =	wrdreg s24  }
0xaf: {  	[dreg:$0x3] =	wrdreg s2  }
0xb0: {  	[dreg:$0x4] =	wrdreg $0x2B000  }
0xb1: {  	[dreg:$0x5] =	wrdreg $0x9  }
0xb2: {  	_ =	task.clear_ibuf [dreg:s7], $0x6FFFF;
	_ =	strace $0x90000046  }
0xb3: {  	s29 =	simm.s32 $0x9;
	_ =	strace $0x80000048  }
0xb4: {  	_ =	swait.ge [sflag:s29], $0x1  }
0xb5: {  	[sflag:s29] =	ssyncadd.s32 $0xFFFFFFFF  }
0xb6: {  	_ =	strace $0x90000048  }
0xb7: {  	_ =	sfence  }
0xb8: {  	s30 =	sld [smem:$0x0];
	_ =	sdelay $0x2  }
0xb9: {  	s31 =	sshll.u32 s1, $0xD;
	s1 =	sshrl.u32 s1, $0x2  }
0xba: {  	s3 =	sand.u32 $0x4000, s31;
	s1 =	sadd.s32 s1, s30  }
0xbb: {  	s0 =	sor.u32 s3, s0;
	s1 =	sshll.u32 s1, $0x11  }
0xbc: {  	s0 =	sor.u32 s1, s0  }
0xbd: {  	s0 =	sadd.s32 $0x8F2B, s0  }
0xbe: {  	[sflag:s0] =	ssyncadd.remote.s32 $0x1  }
0xbf: {  	_ =	sfence.sel $0xFFFF  }
0xc0: {  	[dreg:$0x0] =	wrdreg $0xFFFFFFFF;
	(pc) =	sbr.abs _section_cstart, $3  }
0xc1: {  	[dreg:$0x1] =	wrdreg $0xFFFFFFFF  }
0xc2: {  	_ =	task.clear_ibuf [dreg:s7], $0x2FFFF;
	_ =	strace $0x9FFFFFFF  }
0xc3: {  	(tm) =	ssettm $0x7FFFFFFF  }
tec
execute0_lowered:
.L_overlay_start_1:
0x0: {  	(tag) =	ssettag $0x1  }
0x1: {  	s4 =	rddreg [dreg:$0x0];
	s1 =	srdreg.scid  }
0x2: {  	s0 =	stileid.u32;
	s6 =	rddreg [dreg:$0x1]  }
0x3: {  	s2 =	rddreg [dreg:$0x2];
	s3 =	simm.s32 $0x0;
	s11 =	simm.s32 $0x2A80  }
0x4: {  	s14 =	simm.s32 $0x20;
	s15 =	simm.s32 $0x10;
	s16 =	simm.s32 $0x0  }
0x5: {  	s5 =	sand.u32 $0x1, s1;
	s1 =	rddreg [dreg:$0x3];
	s8 =	smul.u32 $0xA00, s0  }
0x6: {  	s26 =	sshll.u32 s0, $0x1;
	[smem:$0x7FF] =	sst s3;
	s10 =	smul.u32 $0x500, s0  }
0x7: {  	s12 =	sshll.u32 s0, $0x6;
	s7 =	sor.u32 s5, s26;
	_ =	strace $0x80000047  }
0x8: {  	s9 =	ssub.s32 $0x2, s5;
	s5 =	sshll.u32 s5, $0x7;
	s12 =	sor.u32 $0x1C01, s12  }
0x9: {  	s7 =	smul.u32 $0x500, s7;
	s28 =	sshrl.u32 s9, $0x1;
	s29 =	sshrl.u32 s8, $0x2  }
0xa: {  	s30 =	sor.u32 s5, s10;
	s8 =	simm.s32 $0x2800;
	s10 =	simm.s32 $0x80  }
0xb: {  	s9 =	ssub.s32 s9, s28;
	s31 =	sshrl.u32 s30, $0x3;
	s7 =	sadd.s32 s7, s4  }
0xc: {  	s4 =	sadd.s32 s29, s2;
	s6 =	sadd.s32 s6, s31;
	s5 =	sadd.s32 $0x2000, s7  }
0xd: {  	v0 =	vimm.f32 $0.0e+00;
	v1 =	vimm.f32 $1.000000000e+00;
	s7 =	smax.u32 s9, $0x1;
	s9 =	simm.s32 $0x1;
	s13 =	sshrl.u32 s4, $0x3  }
.LBB2_1:
0xe: {  	[tilespmem:$0x2800] =	vst v0  }
0xf: {  	[tilespmem:$0x2810] =	vst v0  }
0x10: {  	[tilespmem:$0x2820] =	vst v0  }
0x11: {  	[tilespmem:$0x2830] =	vst v0  }
0x12: {  	[tilespmem:$0x2840] =	vst v0  }
0x13: {  	[tilespmem:$0x2850] =	vst v0  }
0x14: {  	[tilespmem:$0x2860] =	vst v0  }
0x15: {  	[tilespmem:$0x2870] =	vst v0  }
0x16: {  	[tilespmem:$0x2880] =	vst v0  }
0x17: {  	[tilespmem:$0x2890] =	vst v0  }
0x18: {  	[tilespmem:$0x28A0] =	vst v0  }
0x19: {  	[tilespmem:$0x28B0] =	vst v0  }
0x1a: {  	[tilespmem:$0x28C0] =	vst v0  }
0x1b: {  	[tilespmem:$0x28D0] =	vst v0  }
0x1c: {  	[tilespmem:$0x28E0] =	vst v0  }
0x1d: {  	[tilespmem:$0x28F0] =	vst v0  }
0x1e: {  	[tilespmem:$0x2900] =	vst v0  }
0x1f: {  	[tilespmem:$0x2910] =	vst v0  }
0x20: {  	[tilespmem:$0x2920] =	vst v0  }
0x21: {  	[tilespmem:$0x2930] =	vst v0  }
0x22: {  	[tilespmem:$0x2940] =	vst v0  }
0x23: {  	[tilespmem:$0x2950] =	vst v0  }
0x24: {  	[tilespmem:$0x2960] =	vst v0  }
0x25: {  	[tilespmem:$0x2970] =	vst v0  }
0x26: {  	[tilespmem:$0x2980] =	vst v0  }
0x27: {  	[tilespmem:$0x2990] =	vst v0  }
0x28: {  	[tilespmem:$0x29A0] =	vst v0  }
0x29: {  	[tilespmem:$0x29B0] =	vst v0  }
0x2a: {  	[tilespmem:$0x29C0] =	vst v0  }
0x2b: {  	[tilespmem:$0x29D0] =	vst v0  }
0x2c: {  	[tilespmem:$0x29E0] =	vst v0  }
0x2d: {  	[tilespmem:$0x29F0] =	vst v0  }
0x2e: {  	[tilespmem:$0x2A00] =	vst v0  }
0x2f: {  	[tilespmem:$0x2A10] =	vst v0  }
0x30: {  	[tilespmem:$0x2A20] =	vst v0  }
0x31: {  	[tilespmem:$0x2A30] =	vst v0  }
0x32: {  	[tilespmem:$0x2A40] =	vst v0  }
0x33: {  	[tilespmem:$0x2A50] =	vst v0  }
0x34: {  	[tilespmem:$0x2A60] =	vst v0  }
0x35: {  	[tilespmem:$0x2A70] =	vst v0  }
0x36: {  	[tilespmem:$0x2A80] =	vst v1  }
0x37: {  	[tilespmem:$0x2A90] =	vst v1  }
0x38: {  	[tilespmem:$0x2AA0] =	vst v1  }
0x39: {  	[tilespmem:$0x2AB0] =	vst v1  }
0x3a: {  	[tilespmem:$0x2AC0] =	vst v1  }
0x3b: {  	[tilespmem:$0x2AD0] =	vst v1  }
0x3c: {  	[tilespmem:$0x2AE0] =	vst v1  }
0x3d: {  	[tilespmem:$0x2AF0] =	vst v1  }
0x3e: {  	[spmem:s4] =	stream.linear.scatter [tilespmem:s8], [sflag:$0x1], $0x280, $0x38;
	[tilespmem:$0x2D80] =	vst v63  }
0x3f: {  	_ =	swait.ge [sflag:s9], $0x280  }
0x40: {  	[sflag:s9] =	ssyncset.done $0x0  }
0x41: {  	[sflag:s9] =	ssyncadd.s32 $0xFFFFFD80  }
0x42: {  	[tilespmem:s3], [sflag:$0x1] =	stream.linear.gather [hbm4b:s5+s3], $0x2800, $0x38;
	[tilespmem:$0x2D80] =	vst v63  }
0x43: {  	_ =	swait.ge [sflag:s9], $0x2800  }
0x44: {  	[sflag:s9] =	ssyncset.done $0x0  }
0x45: {  	[sflag:s9] =	ssyncadd.s32 $0xFFFFD800  }
0x46: {  	s17 =	simm.s32 $0x0;
	[bflag:$0x0] =	sbarrier.arrive $0xFFFF  }
0x47: {  	[spmem:s2] =	stream.indirect.scatter.add.f32 [tilespmem:s11], [sflag:$0x1], $0x1, s17, s10, $0xb8;
	[tilespmem:$0x2D80] =	vst v63  }
0x48: {  	_ =	swait.ge [sflag:s9], $0x80  }
0x49: {  	s17 =	simm.s32 $0x200;
	[sflag:s9] =	ssyncset.done $0x0  }
.LBB2_2:
0x4a: {  	s18 =	sshra.s32 s17, $0x2;
	[sflag:s9] =	ssyncadd.s32 $0xFFFFFF80;
	p0 =	sne.s32 s17, $0x9E00  }
0x4b: {  	[spmem:s2] =	stream.indirect.scatter.add.f32 [tilespmem:s11], [sflag:$0x1], $0x1, s18, s10, $0xb8;
	[tilespmem:$0x2D80] =	vst v63  }
.Ltmp0:
0x4c: {  	_ = 	snop;
	(pc) =	sbr.rel @p0 .LBB2_2-.Ltmp0, $4  }
0x4d: {  	_ = 	snop  }
0x4e: {  	s17 =	sadd.s32 $0x200, s17  }
0x4f: {  	_ =	swait.ge [sflag:s9], $0x80  }
0x50: {  	[sflag:s9] =	ssyncset.done $0x0  }
0x51: {  	s16 =	sadd.s32 $0x1, s16  }
0x52: {  	[sflag:s9] =	ssyncadd.s32 $0xFFFFFF80;
	p0 =	sne.s32 s16, s7  }
.Ltmp1:
0x53: {  	[bflag:$0x0] =	sbarrier.arrive $0xFFFF;
	(pc) =	sbr.rel @p0 .LBB2_1-.Ltmp1, $4  }
0x54: {  	[hbm:s6@s14], [sflag:s12] =	dma.strided [spmem:s13@s15], $0x50, s9, $0x10   }
0x55: {  	_ =	swait.ge [sflag:s9], $0x50  }
0x56: {  	[sflag:s9] =	ssyncset.done $0x0  }
0x57: {  	[sflag:s9] =	ssyncadd.s32 $0xFFFFFFB0  }
0x58: {  	_ =	sfence.sel $0x180000  }
0x59: {  	[bflag:$0x0] =	sbarrier.arrive $0xFFFF  }
0x5a: {  	p0 =	sne.s32 s0, $0x0;
	_ =	strace $0x90000047  }
0x5b: {  	s0 =	sadd.s32 @!p0 $0x100000, s1;
	[bflag:$0x2] =	sbarrier.arrive $0xFFFF  }
0x5c: {  	[sflag:s0] =	ssyncadd.tile.s32 @!p0 $0x1;
	_ =	shalt  }
.Lfunc_end2:
_tile_overlayer_lowered:
.L_overlay_start_2:
0x5d: {  	(tag) =	ssettag $0x2  }
0x5e: {  	s0 =	rddreg [dreg:$0x0];
	s2 =	stileid.u32  }
0x5f: {  	s1 =	rddreg [dreg:$0x1];
	p0 =	sne.s32 s2, $0x0  }
0x60: {  	s3 =	rddreg [dreg:$0x2];
	[bflag:$0x3] =	sbarrier.arrive $0xFFFF;
	s2 =	simm.s32 @!p0 $0x1C01  }
0x61: {  	[timem:s3], [sflag:s2] =	dma.local @!p0 [hbm:s0], s1  }
0x62: {  	s0 =	simm.s32 @!p0 $0x1  }
0x63: {  	_ =	swait.ge @!p0 [sflag:s0], s1  }
0x64: {  	s1 =	ssub.s32 @!p0 $0x0, s1;
	[sflag:s0] =	ssyncset.done @!p0 $0x0  }
0x65: {  	[sflag:s0] =	ssyncadd.s32 @!p0 s1  }
0x66: {  	[bflag:$0x3] =	sbarrier.arrive $0xFFFF  }
0x67: {  	_ =	shalt  }

// kernel: kernel.13.cloned.1.call-start
scs
__scs_entry_jumppad:
0x0: {  	(pc) =	sbr.rel $0x88, $3  }
0x1: {  	(tag) =	ssettag $0x0;
	lr =	simm.s32 $0x1  }
0x2: {  	[smem:$0x3F95] =	sst lr;
	_ =	strace $0xD0000000  }
0x3: {  	_ = 	snop  }
0x4: {  	_ = 	snop  }
0x5: {  	_ = 	snop  }
0x6: {  	_ = 	snop  }
0x7: {  	_ = 	snop  }
__scs_overlays_trampoline_lowered:
0x8: {  	[smem:$0x3FA4] =	sst s0  }
0x9: {  	[smem:$0x3FA5] =	sst s1  }
0xa: {  	[smem:$0x3FA6] =	sst s2  }
0xb: {  	[smem:$0x3FA7] =	sst s3  }
0xc: {  	[smem:$0x3FA8] =	sst s4  }
0xd: {  	[smem:$0x3FA9] =	sst s5  }
0xe: {  	[smem:$0x3FAA] =	sst s6  }
0xf: {  	[smem:$0x3FAB] =	sst s7  }
0x10: {  	[smem:$0x3FAC] =	sst s8  }
0x11: {  	[smem:$0x3FAD] =	sst s9;
	s0 =	simm.s32 @!p0 $0x0  }
0x12: {  	s1 =	sld [smem:$0x3F93];
	s0 =	simm.s32 @p0 $0x1  }
0x13: {  	[smem:$0x3FAE] =	sst s0;
	s0 =	simm.s32 @!p1 $0x0  }
0x14: {  	s2 =	sld [smem:$0x3F92];
	s0 =	simm.s32 @p1 $0x1  }
0x15: {  	[smem:$0x3FAF] =	sst s0;
	s0 =	simm.s32 @!p2 $0x0  }
0x16: {  	s3 =	sld [smem:$0x3FDB];
	s0 =	simm.s32 @p2 $0x1  }
0x17: {  	s4 =	simm.s32 $0x1BF5;
	[smem:$0x3FB1] =	sst s0  }
0x18: {  	s0 =	sld [smem:$0x3F94];
	_ =	swait.ge [sflag:s4], $0x0  }
0x19: {  	s7 =	sld [smem:$0x3F95]  }
0x1a: {  	s8 =	sadd.s32 $0xFFFFE003, lr  }
0x1b: {  	s9 =	sadd.s32 $0xFFFFFEF7, lr;
	s5 =	simm.s32 $0xFFFFFFFF;
	p2 =	slt.u32 s8, $0xFFFFF086  }
0x1c: {  	p1 =	slt.u32 s9, $0xF7A;
	s5 =	simm.s32 @!p2 $0x0  }
0x1d: {  	s5 =	simm.s32 @p1 $0x1;
	p0 =	seq.s32 s7, s2  }
0x1e: {  	s7 =	smul.u32 @!p0 $0xF7A, s2;
	p2 =	seq.s32 @!p0 s5, $0x0  }
0x1f: {  	s9 =	smul.u32 $0xF7A, s1;
	s8 =	simm.s32 @!p0 $0x1BF5;
	p2 =	por !p2, p0  }
0x20: {  	[sflag:s8] =	ssyncset.s32 @!p0 $0xFFFFF086;
	s6 =	sadd.s32 @!p0 s3, s7;
	s7 =	simm.s32 @!p0 $0x108  }
0x21: {  	s3 =	sadd.s32 s3, s9;
	s6 =	sadd.s32 @!p0 $0x88, s6;
	s7 =	simm.s32 @p2 $0x1082  }
0x22: {  	[simem:s7], [sflag:s8] =	dma.local @!p0 [hbm:s6], $0xF7A  }
0x23: {  	s9 =	sor.u32 $0xD0000000, s2;
	s6 =	simm.s32 $0x108;
	_ =	swait.ge @!p0 [sflag:s8], $0x0  }
0x24: {  	s3 =	sadd.s32 $0x88, s3;
	s6 =	simm.s32 @!p1 $0x1082;
	[sflag:s4] =	ssyncset.s32 $0xFFFFF086  }
0x25: {  	[simem:s6], [sflag:s4] =	dma.local [hbm:s3], $0xF7A  }
0x26: {  	[smem:$0x3F95] =	sst s1;
	(tag) =	ssettag s2;
	_ =	strace s9  }
0x27: {  	s1 =	sld [smem:$0x3FA5]  }
0x28: {  	s2 =	sld [smem:$0x3FA6]  }
0x29: {  	s4 =	sld [smem:$0x3FA8]  }
0x2a: {  	p0 =	seq.s32 s5, $0x0;
	s5 =	sld [smem:$0x3FA9]  }
0x2b: {  	s6 =	sld [smem:$0x3FAA]  }
0x2c: {  	s7 =	sld [smem:$0x3FAB]  }
0x2d: {  	s3 =	simm.s32 $0x108;
	s8 =	sld [smem:$0x3FAC]  }
0x2e: {  	s3 =	simm.s32 @!p0 $0x1082;
	s9 =	sld [smem:$0x3FAD]  }
0x2f: {  	lr =	sadd.s32 s0, s3;
	s0 =	sld [smem:$0x3FA4]  }
0x30: {  	s3 =	sld [smem:$0x3FA7]  }
0x31: {  	[smem:$0x3FB0] =	sst s10  }
0x32: {  	s10 =	sld [smem:$0x3FAE];
	_ =	sdelay $0x3  }
0x33: {  	p0 =	seq.s32 s10, $0x1;
	s10 =	sld [smem:$0x3FB0];
	_ =	sdelay $0x3  }
0x34: {  	[smem:$0x3FB0] =	sst s10  }
0x35: {  	s10 =	sld [smem:$0x3FAF];
	_ =	sdelay $0x3  }
0x36: {  	p1 =	seq.s32 s10, $0x1;
	s10 =	sld [smem:$0x3FB0];
	_ =	sdelay $0x3  }
0x37: {  	[smem:$0x3FB0] =	sst s10  }
0x38: {  	s10 =	sld [smem:$0x3FB1]  }
0x39: {  	_ = 	snop;
	(pc) =	sbr.ind lr, $3  }
0x3a: {  	_ = 	snop  }
0x3b: {  	_ = 	snop  }
0x3c: {  	p2 =	seq.s32 s10, $0x1;
	s10 =	sld [smem:$0x3FB0]  }
0x3d: {  	_ =	shalt  }
0x3e: {  	_ =	shalt  }
0x3f: {  	_ =	shalt  }
0x40: {  	_ =	shalt  }
0x41: {  	_ =	shalt  }
0x42: {  	_ =	shalt  }
0x43: {  	_ =	shalt  }
0x44: {  	_ =	shalt  }
0x45: {  	_ =	shalt  }
0x46: {  	_ =	shalt  }
0x47: {  	_ =	shalt  }
0x48: {  	_ =	shalt  }
0x49: {  	_ =	shalt  }
0x4a: {  	_ =	shalt  }
0x4b: {  	_ =	shalt  }
0x4c: {  	_ =	shalt  }
0x4d: {  	_ =	shalt  }
0x4e: {  	_ =	shalt  }
0x4f: {  	_ =	shalt  }
0x50: {  	_ =	shalt  }
0x51: {  	_ =	shalt  }
0x52: {  	_ =	shalt  }
0x53: {  	_ =	shalt  }
0x54: {  	_ =	shalt  }
0x55: {  	_ =	shalt  }
0x56: {  	_ =	shalt  }
0x57: {  	_ =	shalt  }
0x58: {  	_ =	shalt  }
0x59: {  	_ =	shalt  }
0x5a: {  	_ =	shalt  }
0x5b: {  	_ =	shalt  }
0x5c: {  	_ =	shalt  }
0x5d: {  	_ =	shalt  }
0x5e: {  	_ =	shalt  }
0x5f: {  	_ =	shalt  }
0x60: {  	_ =	shalt  }
0x61: {  	_ =	shalt  }
0x62: {  	_ =	shalt  }
0x63: {  	_ =	shalt  }
0x64: {  	_ =	shalt  }
0x65: {  	_ =	shalt  }
0x66: {  	_ =	shalt  }
0x67: {  	_ =	shalt  }
0x68: {  	_ =	shalt  }
0x69: {  	_ =	shalt  }
0x6a: {  	_ =	shalt  }
0x6b: {  	_ =	shalt  }
0x6c: {  	_ =	shalt  }
0x6d: {  	_ =	shalt  }
0x6e: {  	_ =	shalt  }
0x6f: {  	_ =	shalt  }
0x70: {  	_ =	shalt  }
0x71: {  	_ =	shalt  }
0x72: {  	_ =	shalt  }
0x73: {  	_ =	shalt  }
0x74: {  	_ =	shalt  }
0x75: {  	_ =	shalt  }
0x76: {  	_ =	shalt  }
0x77: {  	_ =	shalt  }
0x78: {  	_ =	shalt  }
0x79: {  	_ =	shalt  }
0x7a: {  	_ =	shalt  }
0x7b: {  	_ =	shalt  }
0x7c: {  	_ =	shalt  }
0x7d: {  	_ =	shalt  }
0x7e: {  	_ =	shalt  }
0x7f: {  	_ =	shalt  }
0x80: {  	_ =	shalt  }
0x81: {  	_ =	shalt  }
0x82: {  	_ =	shalt  }
0x83: {  	_ =	shalt  }
0x84: {  	_ =	shalt  }
0x85: {  	_ =	shalt  }
0x86: {  	_ =	shalt  }
0x87: {  	_ =	shalt  }
.Lfunc_end0:
.L_simem_size_0:
called_computation.1_lowered:
.L_overlay_start_0:
0x88: {  	s2 =	sld [smem:$0x3FD9]  }
0x89: {  	s3 =	sld [smem:$0x3FFE];
	_ =	sdelay $0x1  }
0x8a: {  	s1 =	srdreg.scid  }
0x8b: {  	s0 =	sand.u32 $0x1, s1  }
0x8c: {  	s16 =	sshll.u32 s0, $0xA;
	s2 =	sadd.s32 s3, s2  }
0x8d: {  	s2 =	sadd.s32 s2, s16  }
0x8e: {  	[smem:$0x3FBC] =	sst s2  }
0x8f: {  	_ = 	snop  }
0x90: {  	(tm) =	ssettm $0x1  }
0x91: {  	s17 =	sld [smem:$0x3FFB];
	_ =	sdelay $0x3  }
0x92: {  	_ =	strace s17  }
0x93: {  	s2 =	sld [smem:$0x3FFC];
	_ =	sdelay $0x3  }
0x94: {  	_ =	strace s2  }
0x95: {  	s2 =	sld [smem:$0x3FFD];
	_ =	sdelay $0x3  }
0x96: {  	_ =	strace s2  }
0x97: {  	_ =	strace $0x8FFFFFFF  }
0x98: {  	s18 =	sld [smem:$0x3FDB];
	_ =	sdelay $0x1  }
0x99: {  	s19 =	simm.s32 $_scs_section_size  }
0x9a: {  	s4 =	simm.s32 $_size__tile_overlayer_lowered;
	s5 =	simm.s32 $_tile_overlayer_lowered  }
0x9b: {  	s22 =	simm.s32 $0x1BFF;
	s21 =	sshll.u32 s5, $0x1;
	s2 =	sadd.s32 s19, s18  }
0x9c: {  	s6 =	simm.s32 $0x0;
	s20 =	sshll.u32 s4, $0x1;
	s4 =	sadd.s32 s21, s2  }
0x9d: {  	[timem:s6], [sflag:s22] =	dma.local [hbm:s4], s20  }
0x9e: {  	_ =	swait.ge [sflag:s22], s20  }
0x9f: {  	s3 =	ssub.s32 $0x0, s20;
	[sflag:s22] =	ssyncset.done $0x0  }
0xa0: {  	[sflag:s22] =	ssyncadd.s32 s3;
	_ =	sdelay $0x1  }
0xa1: {  	s23 =	simm.s32 $0x1B8B  }
0xa2: {  	_ =	swait.ge [sflag:s23], $0x1  }
0xa3: {  	[sflag:s23] =	ssyncset.done $0x0  }
0xa4: {  	s25 =	simm.s32 $0x1B8E;
	s24 =	sld [smem:$0x3FFE];
	[sflag:s23] =	ssyncadd.s32 $0xFFFFFFFF  }
0xa5: {  	s26 =	simm.s32 $execute0_lowered;
	[smem:$0x3FD2] =	sst s25  }
0xa6: {  	s4 =	sshll.u32 s26, $0x1;
	_ =	strace $0x80000049;
	[dreg:$0x1] =	wrdreg $0xFFFFFFFF  }
0xa7: {  	s28 =	simm.s32 $_size_execute0_lowered;
	s2 =	sadd.s32 s2, s4;
	[dreg:$0x0] =	wrdreg $0x0  }
0xa8: {  	s4 =	sshll.u32 s28, $0x1;
	[dreg:$0x2] =	wrdreg s2  }
0xa9: {  	[dreg:$0x3] =	wrdreg s4  }
0xaa: {  	[dreg:$0x4] =	wrdreg $0xC0  }
0xab: {  	_ =	task [dreg:s6], $0x5FFFF  }
0xac: {  	[dreg:$0x1] =	wrdreg $0xFFFFFFFF  }
0xad: {  	[dreg:$0x0] =	wrdreg $0x60  }
0xae: {  	[dreg:$0x2] =	wrdreg s24  }
0xaf: {  	[dreg:$0x3] =	wrdreg $0xA8000  }
0xb0: {  	[dreg:$0x4] =	wrdreg $0x9  }
0xb1: {  	_ =	task.clear_ibuf [dreg:s6], $0x5FFFF;
	_ =	strace $0x90000049  }
0xb2: {  	s29 =	simm.s32 $0x9;
	_ =	strace $0x8000004B  }
0xb3: {  	_ =	swait.ge [sflag:s29], $0x1  }
0xb4: {  	[sflag:s29] =	ssyncadd.s32 $0xFFFFFFFF  }
0xb5: {  	_ =	strace $0x9000004B  }
0xb6: {  	_ =	sfence  }
0xb7: {  	s30 =	sld [smem:$0x0];
	_ =	sdelay $0x2  }
0xb8: {  	s31 =	sshll.u32 s1, $0xD;
	s1 =	sshrl.u32 s1, $0x2  }
0xb9: {  	s3 =	sand.u32 $0x4000, s31;
	s1 =	sadd.s32 s1, s30  }
0xba: {  	s0 =	sor.u32 s3, s0;
	s1 =	sshll.u32 s1, $0x11  }
0xbb: {  	s0 =	sor.u32 s1, s0  }
0xbc: {  	s0 =	sadd.s32 $0x8F2B, s0  }
0xbd: {  	[sflag:s0] =	ssyncadd.remote.s32 $0x1  }
0xbe: {  	_ =	sfence.sel $0xFFFF  }
0xbf: {  	[dreg:$0x0] =	wrdreg $0xFFFFFFFF;
	(pc) =	sbr.abs _section_cstart, $3  }
0xc0: {  	[dreg:$0x1] =	wrdreg $0xFFFFFFFF  }
0xc1: {  	_ =	task.clear_ibuf [dreg:s6], $0x2FFFF;
	_ =	strace $0x9FFFFFFF  }
0xc2: {  	(tm) =	ssettm $0x7FFFFFFF  }
0xc3: {  	_ =	shalt  }
tec
execute0_lowered:
.L_overlay_start_1:
0x0: {  	(tag) =	ssettag $0x1  }
0x1: {  	s7 =	rddreg [dreg:$0x0]  }
0x2: {  	s1 =	rddreg [dreg:$0x1]  }
0x3: {  	s0 =	rddreg [dreg:$0x2];
	s3 =	simm.s32 $0x0;
	s2 =	srdreg.scid  }
0x4: {  	s17 =	simm.s32 $0x2800;
	s18 =	simm.s32 $0x6800;
	s8 =	sand.u32 $0x1, s2  }
0x5: {  	s19 =	simm.s32 $0x1;
	s2 =	stileid.u32;
	s9 =	smul.u32 $0x140000, s8  }
0x6: {  	s20 =	simm.s32 $0x2;
	s21 =	simm.s32 $0x2700;
	s10 =	smul.u32 $0x14000, s2  }
0x7: {  	s22 =	simm.s32 $0x2780;
	[smem:$0x7FF] =	sst s3;
	s11 =	smul.u32 $0x50000, s2  }
0x8: {  	s4 =	sadd.s32 $0x70000, s7;
	s5 =	sadd.s32 $0xC000, s7;
	s26 =	smul.u32 $0x28000, s8  }
0x9: {  	s6 =	sadd.s32 $0x2000, s7;
	s12 =	ssub.s32 $0x2, s8;
	s13 =	smul.u32 $0x2800, s2  }
0xa: {  	_ =	strace $0x8000004A;
	s15 =	smul.u32 $0x50000, s8;
	s28 =	sshrl.u32 s12, $0x1  }
0xb: {  	s31 =	sshll.u32 s2, $0x6;
	s9 =	sadd.s32 s10, s9;
	s12 =	ssub.s32 s12, s28  }
0xc: {  	s29 =	sshrl.u32 s11, $0x2;
	s30 =	sadd.s32 s13, s26;
	s9 =	sshrl.u32 s9, $0x3  }
0xd: {  	s16 =	sadd.s32 s29, s1;
	s8 =	sadd.s32 s4, s30;
	s12 =	smax.u32 s12, $0x1  }
0xe: {  	s14 =	sadd.s32 s9, s7;
	s7 =	smul.u32 $0x5000, s2;
	s9 =	sor.u32 $0x1C03, s31  }
0xf: {  	s13 =	sshrl.u32 s16, $0x3;
	s16 =	simm.s32 $0x80;
	s11 =	sadd.s32 $0xC0000, s14  }
0x10: {  	s14 =	simm.s32 $0x3;
	s10 =	sadd.s32 s15, s7;
	s15 =	simm.s32 $0x1400  }
.LBB2_1:
0x11: {  	[spmem:s13], [sflag:s9] =	dma.local [hbm:s8], $0x2800  }
0x12: {  	_ =	swait.ge [sflag:s14], $0x2800  }
0x13: {  	[sflag:s14] =	ssyncset.done $0x0  }
0x14: {  	[sflag:s14] =	ssyncadd.s32 $0xFFFFD800  }
0x15: {  	s23 =	simm.s32 $0x0;
	[bflag:$0x0] =	sbarrier.arrive $0xFFFF  }
.LBB2_2:
0x16: {  	s24 =	smul.u32 $0x1400, s23;
	_ =	sdelay $0x1  }
0x17: {  	s25 =	sadd.s32 s10, s24  }
0x18: {  	s25 =	sshrl.u32 s25, $0x3  }
0x19: {  	s26 =	simm.s32 $0x0;
	s25 =	sadd.s32 s5, s25  }
0x1a: {  	[tilespmem:s26], [sflag:$0x3] =	stream.linear.gather [hbm4b:s25+s26], $0x1400, $0x38;
	[tilespmem:$0x1E800] =	vst v63  }
0x1b: {  	s24 =	sadd.s32 s7, s24;
	_ =	swait.ge [sflag:s14], $0x1400  }
0x1c: {  	s24 =	sshrl.u32 s24, $0x3;
	[sflag:s14] =	ssyncset.done $0x0  }
0x1d: {  	s24 =	sadd.s32 s6, s24;
	[sflag:s14] =	ssyncadd.s32 $0xFFFFEC00  }
0x1e: {  	[tilespmem:s15], [sflag:$0x3] =	stream.linear.gather [hbm4b:s24+s26], $0x1400, $0x38;
	[tilespmem:$0x1E800] =	vst v63  }
0x1f: {  	_ =	swait.ge [sflag:s14], $0x1400  }
0x20: {  	[sflag:s14] =	ssyncset.done $0x0  }
0x21: {  	[sflag:s14] =	ssyncadd.s32 $0xFFFFEC00  }
0x22: {  	[tilespmem:s17], [sflag:$0x1] =	stream.indirect.gather [hbm4b:s4+s16], $0x80, s26, s16, $0xb8;
	[tilespmem:$0x1E800] =	vst v63  }
0x23: {  	_ = 	snop  }
0x24: {  	[tilespmem:s18], [sflag:$0x2] =	stream.indirect.gather [hbm4b:s4+s16], $0x80, s16, s16, $0xb8;
	[tilespmem:$0x1E800] =	vst v63  }
0x25: {  	_ =	swait.ge [sflag:s19], $0x4000  }
0x26: {  	[sflag:s19] =	ssyncset.done $0x0  }
0x27: {  	s29 =	simm.s32 $0x1400;
	[sflag:s19] =	ssyncadd.s32 $0xFFFFC000  }
0x28: {  	[spmem:s1] =	stream.indirect.scatter.add.f32 [tilespmem:s17], [sflag:$0x3], $0x80, s29, s16, $0xb8;
	[tilespmem:$0x1E800] =	vst v63  }
0x29: {  	_ =	swait.ge [sflag:s14], $0x4000  }
0x2a: {  	[sflag:s14] =	ssyncset.done $0x0  }
0x2b: {  	s30 =	simm.s32 $0x100;
	[sflag:s14] =	ssyncadd.s32 $0xFFFFC000  }
0x2c: {  	[tilespmem:s17], [sflag:$0x1] =	stream.indirect.gather [hbm4b:s4+s16], $0x80, s30, s16, $0xb8;
	[tilespmem:$0x1E800] =	vst v63  }
0x2d: {  	_ =	swait.ge [sflag:s20], $0x4000  }
0x2e: {  	[sflag:s20] =	ssyncset.done $0x0  }
0x2f: {  	s31 =	simm.s32 $0x1480;
	[sflag:s20] =	ssyncadd.s32 $0xFFFFC000  }
0x30: {  	[spmem:s1] =	stream.indirect.scatter.add.f32 [tilespmem:s18], [sflag:$0x3], $0x80, s31, s16, $0xb8;
	[tilespmem:$0x1E800] =	vst v63  }
0x31: {  	_ =	swait.ge [sflag:s14], $0x4000  }
0x32: {  	[sflag:s14] =	ssyncset.done $0x0  }
0x33: {  	s25 =	simm.s32 $0x180;
	s24 =	simm.s32 $0x400;
	[sflag:s14] =	ssyncadd.s32 $0xFFFFC000  }
.LBB2_3:
0x34: {  	[tilespmem:s18], [sflag:$0x2] =	stream.indirect.gather [hbm4b:s4+s16], $0x80, s25, s16, $0xb8;
	[tilespmem:$0x1E800] =	vst v63  }
0x35: {  	s25 =	smov.u32 s24  }
0x36: {  	p0 =	sne.s32 s24, $0x4800;
	s24 =	sadd.s32 $0x400, s24;
	_ =	swait.ge [sflag:s19], $0x4000  }
0x37: {  	s25 =	sshra.s32 s25, $0x2;
	[sflag:s19] =	ssyncset.done $0x0  }
0x38: {  	s26 =	sadd.s32 $0x1400, s25;
	[sflag:s19] =	ssyncadd.s32 $0xFFFFC000  }
0x39: {  	[spmem:s1] =	stream.indirect.scatter.add.f32 [tilespmem:s17], [sflag:$0x3], $0x80, s26, s16, $0xb8;
	[tilespmem:$0x1E800] =	vst v63  }
0x3a: {  	_ =	swait.ge [sflag:s14], $0x4000  }
0x3b: {  	[sflag:s14] =	ssyncset.done $0x0  }
0x3c: {  	s26 =	sadd.s32 $0x100, s25;
	[sflag:s14] =	ssyncadd.s32 $0xFFFFC000  }
0x3d: {  	[tilespmem:s17], [sflag:$0x1] =	stream.indirect.gather [hbm4b:s4+s16], $0x80, s26, s16, $0xb8;
	[tilespmem:$0x1E800] =	vst v63  }
0x3e: {  	_ =	swait.ge [sflag:s20], $0x4000  }
0x3f: {  	[sflag:s20] =	ssyncset.done $0x0  }
.Ltmp0:
0x40: {  	s26 =	sadd.s32 $0x1480, s25;
	[sflag:s20] =	ssyncadd.s32 $0xFFFFC000;
	(pc) =	sbr.rel @p0 .LBB2_3-.Ltmp0, $4  }
0x41: {  	[spmem:s1] =	stream.indirect.scatter.add.f32 [tilespmem:s18], [sflag:$0x3], $0x80, s26, s16, $0xb8;
	[tilespmem:$0x1E800] =	vst v63  }
0x42: {  	_ =	swait.ge [sflag:s14], $0x4000  }
0x43: {  	[sflag:s14] =	ssyncset.done $0x0  }
0x44: {  	s25 =	sadd.s32 $0x180, s25;
	[sflag:s14] =	ssyncadd.s32 $0xFFFFC000  }
0x45: {  	[tilespmem:s18], [sflag:$0x2] =	stream.indirect.gather [hbm4b:s4+s16], $0x80, s25, s16, $0xb8;
	[tilespmem:$0x1E800] =	vst v63  }
0x46: {  	_ =	swait.ge [sflag:s19], $0x4000  }
0x47: {  	[sflag:s19] =	ssyncset.done $0x0  }
0x48: {  	[sflag:s19] =	ssyncadd.s32 $0xFFFFC000  }
0x49: {  	[spmem:s1] =	stream.indirect.scatter.add.f32 [tilespmem:s17], [sflag:$0x3], $0x80, s21, s16, $0xb8;
	[tilespmem:$0x1E800] =	vst v63  }
0x4a: {  	_ =	swait.ge [sflag:s14], $0x4000  }
0x4b: {  	[sflag:s14] =	ssyncset.done $0x0  }
0x4c: {  	[sflag:s14] =	ssyncadd.s32 $0xFFFFC000  }
0x4d: {  	s23 =	sadd.s32 $0x1, s23;
	_ =	swait.ge [sflag:s20], $0x4000  }
0x4e: {  	p0 =	sne.s32 s23, $0x4;
	[sflag:s20] =	ssyncset.done $0x0  }
.Ltmp1:
0x4f: {  	[sflag:s20] =	ssyncadd.s32 $0xFFFFC000;
	(pc) =	sbr.rel @p0 .LBB2_2-.Ltmp1, $4  }
0x50: {  	[spmem:s1] =	stream.indirect.scatter.add.f32 [tilespmem:s18], [sflag:$0x3], $0x80, s22, s16, $0xb8;
	[tilespmem:$0x1E800] =	vst v63  }
0x51: {  	_ =	swait.ge [sflag:s14], $0x4000  }
0x52: {  	[sflag:s14] =	ssyncset.done $0x0  }
0x53: {  	[sflag:s14] =	ssyncadd.s32 $0xFFFFC000  }
0x54: {  	s3 =	sadd.s32 $0x1, s3  }
0x55: {  	p0 =	sne.s32 s3, s12  }
.Ltmp2:
0x56: {  	[bflag:$0x0] =	sbarrier.arrive $0xFFFF;
	(pc) =	sbr.rel @p0 .LBB2_1-.Ltmp2, $4  }
0x57: {  	[hbm:s11], [sflag:s9] =	dma.local [spmem:s13], $0x2800  }
0x58: {  	_ =	swait.ge [sflag:s14], $0x2800  }
0x59: {  	[sflag:s14] =	ssyncset.done $0x0  }
0x5a: {  	[sflag:s14] =	ssyncadd.s32 $0xFFFFD800  }
0x5b: {  	_ =	sfence.sel $0x180000  }
0x5c: {  	[bflag:$0x0] =	sbarrier.arrive $0xFFFF  }
0x5d: {  	p0 =	sne.s32 s2, $0x0;
	_ =	strace $0x9000004A  }
0x5e: {  	s0 =	sadd.s32 @!p0 $0x100000, s0;
	[bflag:$0x2] =	sbarrier.arrive $0xFFFF  }
0x5f: {  	[sflag:s0] =	ssyncadd.tile.s32 @!p0 $0x1;
	_ =	shalt  }
.Lfunc_end2:
_tile_overlayer_lowered:
.L_overlay_start_2:
0x60: {  	(tag) =	ssettag $0x2  }
0x61: {  	s0 =	rddreg [dreg:$0x0];
	s2 =	stileid.u32  }
0x62: {  	s1 =	rddreg [dreg:$0x1];
	p0 =	sne.s32 s2, $0x0  }
0x63: {  	s3 =	rddreg [dreg:$0x2];
	[bflag:$0x3] =	sbarrier.arrive $0xFFFF;
	s2 =	simm.s32 @!p0 $0x1C03  }
0x64: {  	[timem:s3], [sflag:s2] =	dma.local @!p0 [hbm:s0], s1  }
0x65: {  	s0 =	simm.s32 @!p0 $0x3  }
0x66: {  	_ =	swait.ge @!p0 [sflag:s0], s1  }
0x67: {  	s1 =	ssub.s32 @!p0 $0x0, s1;
	[sflag:s0] =	ssyncset.done @!p0 $0x0  }
0x68: {  	[sflag:s0] =	ssyncadd.s32 @!p0 s1  }
0x69: {  	[bflag:$0x3] =	sbarrier.arrive $0xFFFF  }
0x6a: {  	_ =	shalt  }

// kernel: kernel.16.cloned.1.call-start
scs
__scs_entry_jumppad:
0x0: {  	(pc) =	sbr.rel $0x88, $3  }
0x1: {  	(tag) =	ssettag $0x0;
	lr =	simm.s32 $0x1  }
0x2: {  	[smem:$0x3F95] =	sst lr;
	_ =	strace $0xD0000000  }
0x3: {  	_ = 	snop  }
0x4: {  	_ = 	snop  }
0x5: {  	_ = 	snop  }
0x6: {  	_ = 	snop  }
0x7: {  	_ = 	snop  }
__scs_overlays_trampoline_lowered:
0x8: {  	[smem:$0x3FA4] =	sst s0  }
0x9: {  	[smem:$0x3FA5] =	sst s1  }
0xa: {  	[smem:$0x3FA6] =	sst s2  }
0xb: {  	[smem:$0x3FA7] =	sst s3  }
0xc: {  	[smem:$0x3FA8] =	sst s4  }
0xd: {  	[smem:$0x3FA9] =	sst s5  }
0xe: {  	[smem:$0x3FAA] =	sst s6  }
0xf: {  	[smem:$0x3FAB] =	sst s7  }
0x10: {  	[smem:$0x3FAC] =	sst s8  }
0x11: {  	[smem:$0x3FAD] =	sst s9;
	s0 =	simm.s32 @!p0 $0x0  }
0x12: {  	s1 =	sld [smem:$0x3F93];
	s0 =	simm.s32 @p0 $0x1  }
0x13: {  	[smem:$0x3FAE] =	sst s0;
	s0 =	simm.s32 @!p1 $0x0  }
0x14: {  	s2 =	sld [smem:$0x3F92];
	s0 =	simm.s32 @p1 $0x1  }
0x15: {  	[smem:$0x3FAF] =	sst s0;
	s0 =	simm.s32 @!p2 $0x0  }
0x16: {  	s3 =	sld [smem:$0x3FDB];
	s0 =	simm.s32 @p2 $0x1  }
0x17: {  	s4 =	simm.s32 $0x1BF5;
	[smem:$0x3FB1] =	sst s0  }
0x18: {  	s0 =	sld [smem:$0x3F94];
	_ =	swait.ge [sflag:s4], $0x0  }
0x19: {  	s7 =	sld [smem:$0x3F95]  }
0x1a: {  	s8 =	sadd.s32 $0xFFFFE003, lr  }
0x1b: {  	s9 =	sadd.s32 $0xFFFFFEF7, lr;
	s5 =	simm.s32 $0xFFFFFFFF;
	p2 =	slt.u32 s8, $0xFFFFF086  }
0x1c: {  	p1 =	slt.u32 s9, $0xF7A;
	s5 =	simm.s32 @!p2 $0x0  }
0x1d: {  	s5 =	simm.s32 @p1 $0x1;
	p0 =	seq.s32 s7, s2  }
0x1e: {  	s7 =	smul.u32 @!p0 $0xF7A, s2;
	p2 =	seq.s32 @!p0 s5, $0x0  }
0x1f: {  	s9 =	smul.u32 $0xF7A, s1;
	s8 =	simm.s32 @!p0 $0x1BF5;
	p2 =	por !p2, p0  }
0x20: {  	[sflag:s8] =	ssyncset.s32 @!p0 $0xFFFFF086;
	s6 =	sadd.s32 @!p0 s3, s7;
	s7 =	simm.s32 @!p0 $0x108  }
0x21: {  	s3 =	sadd.s32 s3, s9;
	s6 =	sadd.s32 @!p0 $0x88, s6;
	s7 =	simm.s32 @p2 $0x1082  }
0x22: {  	[simem:s7], [sflag:s8] =	dma.local @!p0 [hbm:s6], $0xF7A  }
0x23: {  	s9 =	sor.u32 $0xD0000000, s2;
	s6 =	simm.s32 $0x108;
	_ =	swait.ge @!p0 [sflag:s8], $0x0  }
0x24: {  	s3 =	sadd.s32 $0x88, s3;
	s6 =	simm.s32 @!p1 $0x1082;
	[sflag:s4] =	ssyncset.s32 $0xFFFFF086  }
0x25: {  	[simem:s6], [sflag:s4] =	dma.local [hbm:s3], $0xF7A  }
0x26: {  	[smem:$0x3F95] =	sst s1;
	(tag) =	ssettag s2;
	_ =	strace s9  }
0x27: {  	s1 =	sld [smem:$0x3FA5]  }
0x28: {  	s2 =	sld [smem:$0x3FA6]  }
0x29: {  	s4 =	sld [smem:$0x3FA8]  }
0x2a: {  	p0 =	seq.s32 s5, $0x0;
	s5 =	sld [smem:$0x3FA9]  }
0x2b: {  	s6 =	sld [smem:$0x3FAA]  }
0x2c: {  	s7 =	sld [smem:$0x3FAB]  }
0x2d: {  	s3 =	simm.s32 $0x108;
	s8 =	sld [smem:$0x3FAC]  }
0x2e: {  	s3 =	simm.s32 @!p0 $0x1082;
	s9 =	sld [smem:$0x3FAD]  }
0x2f: {  	lr =	sadd.s32 s0, s3;
	s0 =	sld [smem:$0x3FA4]  }
0x30: {  	s3 =	sld [smem:$0x3FA7]  }
0x31: {  	[smem:$0x3FB0] =	sst s10  }
0x32: {  	s10 =	sld [smem:$0x3FAE];
	_ =	sdelay $0x3  }
0x33: {  	p0 =	seq.s32 s10, $0x1;
	s10 =	sld [smem:$0x3FB0];
	_ =	sdelay $0x3  }
0x34: {  	[smem:$0x3FB0] =	sst s10  }
0x35: {  	s10 =	sld [smem:$0x3FAF];
	_ =	sdelay $0x3  }
0x36: {  	p1 =	seq.s32 s10, $0x1;
	s10 =	sld [smem:$0x3FB0];
	_ =	sdelay $0x3  }
0x37: {  	[smem:$0x3FB0] =	sst s10  }
0x38: {  	s10 =	sld [smem:$0x3FB1]  }
0x39: {  	_ = 	snop;
	(pc) =	sbr.ind lr, $3  }
0x3a: {  	_ = 	snop  }
0x3b: {  	_ = 	snop  }
0x3c: {  	p2 =	seq.s32 s10, $0x1;
	s10 =	sld [smem:$0x3FB0]  }
0x3d: {  	_ =	shalt  }
0x3e: {  	_ =	shalt  }
0x3f: {  	_ =	shalt  }
0x40: {  	_ =	shalt  }
0x41: {  	_ =	shalt  }
0x42: {  	_ =	shalt  }
0x43: {  	_ =	shalt  }
0x44: {  	_ =	shalt  }
0x45: {  	_ =	shalt  }
0x46: {  	_ =	shalt  }
0x47: {  	_ =	shalt  }
0x48: {  	_ =	shalt  }
0x49: {  	_ =	shalt  }
0x4a: {  	_ =	shalt  }
0x4b: {  	_ =	shalt  }
0x4c: {  	_ =	shalt  }
0x4d: {  	_ =	shalt  }
0x4e: {  	_ =	shalt  }
0x4f: {  	_ =	shalt  }
0x50: {  	_ =	shalt  }
0x51: {  	_ =	shalt  }
0x52: {  	_ =	shalt  }
0x53: {  	_ =	shalt  }
0x54: {  	_ =	shalt  }
0x55: {  	_ =	shalt  }
0x56: {  	_ =	shalt  }
0x57: {  	_ =	shalt  }
0x58: {  	_ =	shalt  }
0x59: {  	_ =	shalt  }
0x5a: {  	_ =	shalt  }
0x5b: {  	_ =	shalt  }
0x5c: {  	_ =	shalt  }
0x5d: {  	_ =	shalt  }
0x5e: {  	_ =	shalt  }
0x5f: {  	_ =	shalt  }
0x60: {  	_ =	shalt  }
0x61: {  	_ =	shalt  }
0x62: {  	_ =	shalt  }
0x63: {  	_ =	shalt  }
0x64: {  	_ =	shalt  }
0x65: {  	_ =	shalt  }
0x66: {  	_ =	shalt  }
0x67: {  	_ =	shalt  }
0x68: {  	_ =	shalt  }
0x69: {  	_ =	shalt  }
0x6a: {  	_ =	shalt  }
0x6b: {  	_ =	shalt  }
0x6c: {  	_ =	shalt  }
0x6d: {  	_ =	shalt  }
0x6e: {  	_ =	shalt  }
0x6f: {  	_ =	shalt  }
0x70: {  	_ =	shalt  }
0x71: {  	_ =	shalt  }
0x72: {  	_ =	shalt  }
0x73: {  	_ =	shalt  }
0x74: {  	_ =	shalt  }
0x75: {  	_ =	shalt  }
0x76: {  	_ =	shalt  }
0x77: {  	_ =	shalt  }
0x78: {  	_ =	shalt  }
0x79: {  	_ =	shalt  }
0x7a: {  	_ =	shalt  }
0x7b: {  	_ =	shalt  }
0x7c: {  	_ =	shalt  }
0x7d: {  	_ =	shalt  }
0x7e: {  	_ =	shalt  }
0x7f: {  	_ =	shalt  }
0x80: {  	_ =	shalt  }
0x81: {  	_ =	shalt  }
0x82: {  	_ =	shalt  }
0x83: {  	_ =	shalt  }
0x84: {  	_ =	shalt  }
0x85: {  	_ =	shalt  }
0x86: {  	_ =	shalt  }
0x87: {  	_ =	shalt  }
.Lfunc_end0:
.L_simem_size_0:
called_computation.2_lowered:
.L_overlay_start_0:
0x88: {  	s2 =	sld [smem:$0x3FD9]  }
0x89: {  	s3 =	sld [smem:$0x3FFE];
	_ =	sdelay $0x1  }
0x8a: {  	s1 =	srdreg.scid  }
0x8b: {  	s0 =	sand.u32 $0x1, s1  }
0x8c: {  	s16 =	sshll.u32 s0, $0xA;
	s2 =	sadd.s32 s3, s2  }
0x8d: {  	s2 =	sadd.s32 s2, s16  }
0x8e: {  	[smem:$0x3FBC] =	sst s2  }
0x8f: {  	_ = 	snop  }
0x90: {  	(tm) =	ssettm $0x1  }
0x91: {  	s17 =	sld [smem:$0x3FFB];
	_ =	sdelay $0x3  }
0x92: {  	_ =	strace s17  }
0x93: {  	s2 =	sld [smem:$0x3FFC];
	_ =	sdelay $0x3  }
0x94: {  	_ =	strace s2  }
0x95: {  	s2 =	sld [smem:$0x3FFD];
	_ =	sdelay $0x3  }
0x96: {  	_ =	strace s2  }
0x97: {  	_ =	strace $0x8FFFFFFF  }
0x98: {  	s18 =	sld [smem:$0x3FDB];
	_ =	sdelay $0x1  }
0x99: {  	s19 =	simm.s32 $_scs_section_size  }
0x9a: {  	s4 =	simm.s32 $_size__tile_overlayer_lowered;
	s5 =	simm.s32 $_tile_overlayer_lowered  }
0x9b: {  	s22 =	simm.s32 $0x1BFF;
	s21 =	sshll.u32 s5, $0x1;
	s2 =	sadd.s32 s19, s18  }
0x9c: {  	s6 =	simm.s32 $0x0;
	s20 =	sshll.u32 s4, $0x1;
	s4 =	sadd.s32 s21, s2  }
0x9d: {  	[timem:s6], [sflag:s22] =	dma.local [hbm:s4], s20  }
0x9e: {  	_ =	swait.ge [sflag:s22], s20  }
0x9f: {  	s3 =	ssub.s32 $0x0, s20;
	[sflag:s22] =	ssyncset.done $0x0  }
0xa0: {  	[sflag:s22] =	ssyncadd.s32 s3;
	_ =	sdelay $0x1  }
0xa1: {  	s23 =	simm.s32 $0x1B8B  }
0xa2: {  	_ =	swait.ge [sflag:s23], $0x1  }
0xa3: {  	[sflag:s23] =	ssyncset.done $0x0  }
0xa4: {  	s25 =	simm.s32 $0x1B8E;
	s24 =	sld [smem:$0x3FFE];
	[sflag:s23] =	ssyncadd.s32 $0xFFFFFFFF  }
0xa5: {  	s26 =	simm.s32 $execute0_lowered;
	[smem:$0x3FD2] =	sst s25  }
0xa6: {  	s4 =	sshll.u32 s26, $0x1;
	_ =	strace $0x8000004C;
	[dreg:$0x1] =	wrdreg $0xFFFFFFFF  }
0xa7: {  	s28 =	simm.s32 $_size_execute0_lowered;
	s2 =	sadd.s32 s2, s4;
	[dreg:$0x0] =	wrdreg $0x0  }
0xa8: {  	s4 =	sshll.u32 s28, $0x1;
	[dreg:$0x2] =	wrdreg s2  }
0xa9: {  	[dreg:$0x3] =	wrdreg s4  }
0xaa: {  	[dreg:$0x4] =	wrdreg $0xC0  }
0xab: {  	_ =	task [dreg:s6], $0x5FFFF  }
0xac: {  	[dreg:$0x1] =	wrdreg $0xFFFFFFFF  }
0xad: {  	[dreg:$0x0] =	wrdreg $0x60  }
0xae: {  	[dreg:$0x2] =	wrdreg s24  }
0xaf: {  	[dreg:$0x3] =	wrdreg $0xA8000  }
0xb0: {  	[dreg:$0x4] =	wrdreg $0x9  }
0xb1: {  	_ =	task.clear_ibuf [dreg:s6], $0x5FFFF;
	_ =	strace $0x9000004C  }
0xb2: {  	s29 =	simm.s32 $0x9;
	_ =	strace $0x8000004E  }
0xb3: {  	_ =	swait.ge [sflag:s29], $0x1  }
0xb4: {  	[sflag:s29] =	ssyncadd.s32 $0xFFFFFFFF  }
0xb5: {  	_ =	strace $0x9000004E  }
0xb6: {  	_ =	sfence  }
0xb7: {  	s30 =	sld [smem:$0x0];
	_ =	sdelay $0x2  }
0xb8: {  	s31 =	sshll.u32 s1, $0xD;
	s1 =	sshrl.u32 s1, $0x2  }
0xb9: {  	s3 =	sand.u32 $0x4000, s31;
	s1 =	sadd.s32 s1, s30  }
0xba: {  	s0 =	sor.u32 s3, s0;
	s1 =	sshll.u32 s1, $0x11  }
0xbb: {  	s0 =	sor.u32 s1, s0  }
0xbc: {  	s0 =	sadd.s32 $0x8F2B, s0  }
0xbd: {  	[sflag:s0] =	ssyncadd.remote.s32 $0x1  }
0xbe: {  	_ =	sfence.sel $0xFFFF  }
0xbf: {  	[dreg:$0x0] =	wrdreg $0xFFFFFFFF;
	(pc) =	sbr.abs _section_cstart, $3  }
0xc0: {  	[dreg:$0x1] =	wrdreg $0xFFFFFFFF  }
0xc1: {  	_ =	task.clear_ibuf [dreg:s6], $0x2FFFF;
	_ =	strace $0x9FFFFFFF  }
0xc2: {  	(tm) =	ssettm $0x7FFFFFFF  }
0xc3: {  	_ =	shalt  }
tec
execute0_lowered:
.L_overlay_start_1:
0x0: {  	(tag) =	ssettag $0x1  }
0x1: {  	s7 =	rddreg [dreg:$0x0]  }
0x2: {  	s1 =	rddreg [dreg:$0x1]  }
0x3: {  	s0 =	rddreg [dreg:$0x2];
	s3 =	simm.s32 $0x0;
	s2 =	srdreg.scid  }
0x4: {  	s17 =	simm.s32 $0x2800;
	s18 =	simm.s32 $0x6800;
	s8 =	sand.u32 $0x1, s2  }
0x5: {  	s19 =	simm.s32 $0x1;
	s2 =	stileid.u32;
	s9 =	smul.u32 $0x140000, s8  }
0x6: {  	s20 =	simm.s32 $0x2;
	s21 =	simm.s32 $0x2700;
	s10 =	smul.u32 $0x14000, s2  }
0x7: {  	s22 =	simm.s32 $0x2780;
	[smem:$0x7FF] =	sst s3;
	s11 =	smul.u32 $0x50000, s2  }
0x8: {  	s4 =	sadd.s32 $0x70000, s7;
	s5 =	sadd.s32 $0xC000, s7;
	s26 =	smul.u32 $0x28000, s8  }
0x9: {  	s6 =	sadd.s32 $0x2000, s7;
	s12 =	ssub.s32 $0x2, s8;
	s13 =	smul.u32 $0x2800, s2  }
0xa: {  	_ =	strace $0x8000004D;
	s15 =	smul.u32 $0x50000, s8;
	s28 =	sshrl.u32 s12, $0x1  }
0xb: {  	s31 =	sshll.u32 s2, $0x6;
	s9 =	sadd.s32 s10, s9;
	s12 =	ssub.s32 s12, s28  }
0xc: {  	s29 =	sshrl.u32 s11, $0x2;
	s30 =	sadd.s32 s13, s26;
	s9 =	sshrl.u32 s9, $0x3  }
0xd: {  	s16 =	sadd.s32 s29, s1;
	s8 =	sadd.s32 s4, s30;
	s12 =	smax.u32 s12, $0x1  }
0xe: {  	s14 =	sadd.s32 s9, s7;
	s7 =	smul.u32 $0x5000, s2;
	s9 =	sor.u32 $0x1C03, s31  }
0xf: {  	s13 =	sshrl.u32 s16, $0x3;
	s16 =	simm.s32 $0x80;
	s11 =	sadd.s32 $0xC0000, s14  }
0x10: {  	s14 =	simm.s32 $0x3;
	s10 =	sadd.s32 s15, s7;
	s15 =	simm.s32 $0x1400  }
.LBB2_1:
0x11: {  	[spmem:s13], [sflag:s9] =	dma.local [hbm:s8], $0x2800  }
0x12: {  	_ =	swait.ge [sflag:s14], $0x2800  }
0x13: {  	[sflag:s14] =	ssyncset.done $0x0  }
0x14: {  	[sflag:s14] =	ssyncadd.s32 $0xFFFFD800  }
0x15: {  	s23 =	simm.s32 $0x0;
	[bflag:$0x0] =	sbarrier.arrive $0xFFFF  }
.LBB2_2:
0x16: {  	s24 =	smul.u32 $0x1400, s23;
	_ =	sdelay $0x1  }
0x17: {  	s25 =	sadd.s32 s10, s24  }
0x18: {  	s25 =	sshrl.u32 s25, $0x3  }
0x19: {  	s26 =	simm.s32 $0x0;
	s25 =	sadd.s32 s5, s25  }
0x1a: {  	[tilespmem:s26], [sflag:$0x3] =	stream.linear.gather [hbm4b:s25+s26], $0x1400, $0x38;
	[tilespmem:$0x1E800] =	vst v63  }
0x1b: {  	s24 =	sadd.s32 s7, s24;
	_ =	swait.ge [sflag:s14], $0x1400  }
0x1c: {  	s24 =	sshrl.u32 s24, $0x3;
	[sflag:s14] =	ssyncset.done $0x0  }
0x1d: {  	s24 =	sadd.s32 s6, s24;
	[sflag:s14] =	ssyncadd.s32 $0xFFFFEC00  }
0x1e: {  	[tilespmem:s15], [sflag:$0x3] =	stream.linear.gather [hbm4b:s24+s26], $0x1400, $0x38;
	[tilespmem:$0x1E800] =	vst v63  }
0x1f: {  	_ =	swait.ge [sflag:s14], $0x1400  }
0x20: {  	[sflag:s14] =	ssyncset.done $0x0  }
0x21: {  	[sflag:s14] =	ssyncadd.s32 $0xFFFFEC00  }
0x22: {  	[tilespmem:s17], [sflag:$0x1] =	stream.indirect.gather [hbm4b:s4+s16], $0x80, s26, s16, $0xb8;
	[tilespmem:$0x1E800] =	vst v63  }
0x23: {  	_ = 	snop  }
0x24: {  	[tilespmem:s18], [sflag:$0x2] =	stream.indirect.gather [hbm4b:s4+s16], $0x80, s16, s16, $0xb8;
	[tilespmem:$0x1E800] =	vst v63  }
0x25: {  	_ =	swait.ge [sflag:s19], $0x4000  }
0x26: {  	[sflag:s19] =	ssyncset.done $0x0  }
0x27: {  	s29 =	simm.s32 $0x1400;
	[sflag:s19] =	ssyncadd.s32 $0xFFFFC000  }
0x28: {  	[spmem:s1] =	stream.indirect.scatter.add.f32 [tilespmem:s17], [sflag:$0x3], $0x80, s29, s16, $0xb8;
	[tilespmem:$0x1E800] =	vst v63  }
0x29: {  	_ =	swait.ge [sflag:s14], $0x4000  }
0x2a: {  	[sflag:s14] =	ssyncset.done $0x0  }
0x2b: {  	s30 =	simm.s32 $0x100;
	[sflag:s14] =	ssyncadd.s32 $0xFFFFC000  }
0x2c: {  	[tilespmem:s17], [sflag:$0x1] =	stream.indirect.gather [hbm4b:s4+s16], $0x80, s30, s16, $0xb8;
	[tilespmem:$0x1E800] =	vst v63  }
0x2d: {  	_ =	swait.ge [sflag:s20], $0x4000  }
0x2e: {  	[sflag:s20] =	ssyncset.done $0x0  }
0x2f: {  	s31 =	simm.s32 $0x1480;
	[sflag:s20] =	ssyncadd.s32 $0xFFFFC000  }
0x30: {  	[spmem:s1] =	stream.indirect.scatter.add.f32 [tilespmem:s18], [sflag:$0x3], $0x80, s31, s16, $0xb8;
	[tilespmem:$0x1E800] =	vst v63  }
0x31: {  	_ =	swait.ge [sflag:s14], $0x4000  }
0x32: {  	[sflag:s14] =	ssyncset.done $0x0  }
0x33: {  	s25 =	simm.s32 $0x180;
	s24 =	simm.s32 $0x400;
	[sflag:s14] =	ssyncadd.s32 $0xFFFFC000  }
.LBB2_3:
0x34: {  	[tilespmem:s18], [sflag:$0x2] =	stream.indirect.gather [hbm4b:s4+s16], $0x80, s25, s16, $0xb8;
	[tilespmem:$0x1E800] =	vst v63  }
0x35: {  	s25 =	smov.u32 s24  }
0x36: {  	p0 =	sne.s32 s24, $0x4800;
	s24 =	sadd.s32 $0x400, s24;
	_ =	swait.ge [sflag:s19], $0x4000  }
0x37: {  	s25 =	sshra.s32 s25, $0x2;
	[sflag:s19] =	ssyncset.done $0x0  }
0x38: {  	s26 =	sadd.s32 $0x1400, s25;
	[sflag:s19] =	ssyncadd.s32 $0xFFFFC000  }
0x39: {  	[spmem:s1] =	stream.indirect.scatter.add.f32 [tilespmem:s17], [sflag:$0x3], $0x80, s26, s16, $0xb8;
	[tilespmem:$0x1E800] =	vst v63  }
0x3a: {  	_ =	swait.ge [sflag:s14], $0x4000  }
0x3b: {  	[sflag:s14] =	ssyncset.done $0x0  }
0x3c: {  	s26 =	sadd.s32 $0x100, s25;
	[sflag:s14] =	ssyncadd.s32 $0xFFFFC000  }
0x3d: {  	[tilespmem:s17], [sflag:$0x1] =	stream.indirect.gather [hbm4b:s4+s16], $0x80, s26, s16, $0xb8;
	[tilespmem:$0x1E800] =	vst v63  }
0x3e: {  	_ =	swait.ge [sflag:s20], $0x4000  }
0x3f: {  	[sflag:s20] =	ssyncset.done $0x0  }
.Ltmp0:
0x40: {  	s26 =	sadd.s32 $0x1480, s25;
	[sflag:s20] =	ssyncadd.s32 $0xFFFFC000;
	(pc) =	sbr.rel @p0 .LBB2_3-.Ltmp0, $4  }
0x41: {  	[spmem:s1] =	stream.indirect.scatter.add.f32 [tilespmem:s18], [sflag:$0x3], $0x80, s26, s16, $0xb8;
	[tilespmem:$0x1E800] =	vst v63  }
0x42: {  	_ =	swait.ge [sflag:s14], $0x4000  }
0x43: {  	[sflag:s14] =	ssyncset.done $0x0  }
0x44: {  	s25 =	sadd.s32 $0x180, s25;
	[sflag:s14] =	ssyncadd.s32 $0xFFFFC000  }
0x45: {  	[tilespmem:s18], [sflag:$0x2] =	stream.indirect.gather [hbm4b:s4+s16], $0x80, s25, s16, $0xb8;
	[tilespmem:$0x1E800] =	vst v63  }
0x46: {  	_ =	swait.ge [sflag:s19], $0x4000  }
0x47: {  	[sflag:s19] =	ssyncset.done $0x0  }
0x48: {  	[sflag:s19] =	ssyncadd.s32 $0xFFFFC000  }
0x49: {  	[spmem:s1] =	stream.indirect.scatter.add.f32 [tilespmem:s17], [sflag:$0x3], $0x80, s21, s16, $0xb8;
	[tilespmem:$0x1E800] =	vst v63  }
0x4a: {  	_ =	swait.ge [sflag:s14], $0x4000  }
0x4b: {  	[sflag:s14] =	ssyncset.done $0x0  }
0x4c: {  	[sflag:s14] =	ssyncadd.s32 $0xFFFFC000  }
0x4d: {  	s23 =	sadd.s32 $0x1, s23;
	_ =	swait.ge [sflag:s20], $0x4000  }
0x4e: {  	p0 =	sne.s32 s23, $0x4;
	[sflag:s20] =	ssyncset.done $0x0  }
.Ltmp1:
0x4f: {  	[sflag:s20] =	ssyncadd.s32 $0xFFFFC000;
	(pc) =	sbr.rel @p0 .LBB2_2-.Ltmp1, $4  }
0x50: {  	[spmem:s1] =	stream.indirect.scatter.add.f32 [tilespmem:s18], [sflag:$0x3], $0x80, s22, s16, $0xb8;
	[tilespmem:$0x1E800] =	vst v63  }
0x51: {  	_ =	swait.ge [sflag:s14], $0x4000  }
0x52: {  	[sflag:s14] =	ssyncset.done $0x0  }
0x53: {  	[sflag:s14] =	ssyncadd.s32 $0xFFFFC000  }
0x54: {  	s3 =	sadd.s32 $0x1, s3  }
0x55: {  	p0 =	sne.s32 s3, s12  }
.Ltmp2:
0x56: {  	[bflag:$0x0] =	sbarrier.arrive $0xFFFF;
	(pc) =	sbr.rel @p0 .LBB2_1-.Ltmp2, $4  }
0x57: {  	[hbm:s11], [sflag:s9] =	dma.local [spmem:s13], $0x2800  }
0x58: {  	_ =	swait.ge [sflag:s14], $0x2800  }
0x59: {  	[sflag:s14] =	ssyncset.done $0x0  }
0x5a: {  	[sflag:s14] =	ssyncadd.s32 $0xFFFFD800  }
0x5b: {  	_ =	sfence.sel $0x180000  }
0x5c: {  	[bflag:$0x0] =	sbarrier.arrive $0xFFFF  }
0x5d: {  	p0 =	sne.s32 s2, $0x0;
	_ =	strace $0x9000004D  }
0x5e: {  	s0 =	sadd.s32 @!p0 $0x100000, s0;
	[bflag:$0x2] =	sbarrier.arrive $0xFFFF  }
0x5f: {  	[sflag:s0] =	ssyncadd.tile.s32 @!p0 $0x1;
	_ =	shalt  }
.Lfunc_end2:
_tile_overlayer_lowered:
.L_overlay_start_2:
0x60: {  	(tag) =	ssettag $0x2  }
0x61: {  	s0 =	rddreg [dreg:$0x0];
	s2 =	stileid.u32  }
0x62: {  	s1 =	rddreg [dreg:$0x1];
	p0 =	sne.s32 s2, $0x0  }
0x63: {  	s3 =	rddreg [dreg:$0x2];
	[bflag:$0x3] =	sbarrier.arrive $0xFFFF;
	s2 =	simm.s32 @!p0 $0x1C03  }
0x64: {  	[timem:s3], [sflag:s2] =	dma.local @!p0 [hbm:s0], s1  }
0x65: {  	s0 =	simm.s32 @!p0 $0x3  }
0x66: {  	_ =	swait.ge @!p0 [sflag:s0], s1  }
0x67: {  	s1 =	ssub.s32 @!p0 $0x0, s1;
	[sflag:s0] =	ssyncset.done @!p0 $0x0  }
0x68: {  	[sflag:s0] =	ssyncadd.s32 @!p0 s1  }
0x69: {  	[bflag:$0x3] =	sbarrier.arrive $0xFFFF  }
0x6a: {  	_ =	shalt  }

// kernel: kernel.19.cloned.1.call-start
scs
__scs_entry_jumppad:
0x0: {  	(pc) =	sbr.rel $0x88, $3  }
0x1: {  	(tag) =	ssettag $0x0;
	lr =	simm.s32 $0x1  }
0x2: {  	[smem:$0x3F95] =	sst lr;
	_ =	strace $0xD0000000  }
0x3: {  	_ = 	snop  }
0x4: {  	_ = 	snop  }
0x5: {  	_ = 	snop  }
0x6: {  	_ = 	snop  }
0x7: {  	_ = 	snop  }
__scs_overlays_trampoline_lowered:
0x8: {  	[smem:$0x3FA4] =	sst s0  }
0x9: {  	[smem:$0x3FA5] =	sst s1  }
0xa: {  	[smem:$0x3FA6] =	sst s2  }
0xb: {  	[smem:$0x3FA7] =	sst s3  }
0xc: {  	[smem:$0x3FA8] =	sst s4  }
0xd: {  	[smem:$0x3FA9] =	sst s5  }
0xe: {  	[smem:$0x3FAA] =	sst s6  }
0xf: {  	[smem:$0x3FAB] =	sst s7  }
0x10: {  	[smem:$0x3FAC] =	sst s8  }
0x11: {  	[smem:$0x3FAD] =	sst s9;
	s0 =	simm.s32 @!p0 $0x0  }
0x12: {  	s1 =	sld [smem:$0x3F93];
	s0 =	simm.s32 @p0 $0x1  }
0x13: {  	[smem:$0x3FAE] =	sst s0;
	s0 =	simm.s32 @!p1 $0x0  }
0x14: {  	s2 =	sld [smem:$0x3F92];
	s0 =	simm.s32 @p1 $0x1  }
0x15: {  	[smem:$0x3FAF] =	sst s0;
	s0 =	simm.s32 @!p2 $0x0  }
0x16: {  	s3 =	sld [smem:$0x3FDB];
	s0 =	simm.s32 @p2 $0x1  }
0x17: {  	s4 =	simm.s32 $0x1BF5;
	[smem:$0x3FB1] =	sst s0  }
0x18: {  	s0 =	sld [smem:$0x3F94];
	_ =	swait.ge [sflag:s4], $0x0  }
0x19: {  	s7 =	sld [smem:$0x3F95]  }
0x1a: {  	s8 =	sadd.s32 $0xFFFFE003, lr  }
0x1b: {  	s9 =	sadd.s32 $0xFFFFFEF7, lr;
	s5 =	simm.s32 $0xFFFFFFFF;
	p2 =	slt.u32 s8, $0xFFFFF086  }
0x1c: {  	p1 =	slt.u32 s9, $0xF7A;
	s5 =	simm.s32 @!p2 $0x0  }
0x1d: {  	s5 =	simm.s32 @p1 $0x1;
	p0 =	seq.s32 s7, s2  }
0x1e: {  	s7 =	smul.u32 @!p0 $0xF7A, s2;
	p2 =	seq.s32 @!p0 s5, $0x0  }
0x1f: {  	s9 =	smul.u32 $0xF7A, s1;
	s8 =	simm.s32 @!p0 $0x1BF5;
	p2 =	por !p2, p0  }
0x20: {  	[sflag:s8] =	ssyncset.s32 @!p0 $0xFFFFF086;
	s6 =	sadd.s32 @!p0 s3, s7;
	s7 =	simm.s32 @!p0 $0x108  }
0x21: {  	s3 =	sadd.s32 s3, s9;
	s6 =	sadd.s32 @!p0 $0x88, s6;
	s7 =	simm.s32 @p2 $0x1082  }
0x22: {  	[simem:s7], [sflag:s8] =	dma.local @!p0 [hbm:s6], $0xF7A  }
0x23: {  	s9 =	sor.u32 $0xD0000000, s2;
	s6 =	simm.s32 $0x108;
	_ =	swait.ge @!p0 [sflag:s8], $0x0  }
0x24: {  	s3 =	sadd.s32 $0x88, s3;
	s6 =	simm.s32 @!p1 $0x1082;
	[sflag:s4] =	ssyncset.s32 $0xFFFFF086  }
0x25: {  	[simem:s6], [sflag:s4] =	dma.local [hbm:s3], $0xF7A  }
0x26: {  	[smem:$0x3F95] =	sst s1;
	(tag) =	ssettag s2;
	_ =	strace s9  }
0x27: {  	s1 =	sld [smem:$0x3FA5]  }
0x28: {  	s2 =	sld [smem:$0x3FA6]  }
0x29: {  	s4 =	sld [smem:$0x3FA8]  }
0x2a: {  	p0 =	seq.s32 s5, $0x0;
	s5 =	sld [smem:$0x3FA9]  }
0x2b: {  	s6 =	sld [smem:$0x3FAA]  }
0x2c: {  	s7 =	sld [smem:$0x3FAB]  }
0x2d: {  	s3 =	simm.s32 $0x108;
	s8 =	sld [smem:$0x3FAC]  }
0x2e: {  	s3 =	simm.s32 @!p0 $0x1082;
	s9 =	sld [smem:$0x3FAD]  }
0x2f: {  	lr =	sadd.s32 s0, s3;
	s0 =	sld [smem:$0x3FA4]  }
0x30: {  	s3 =	sld [smem:$0x3FA7]  }
0x31: {  	[smem:$0x3FB0] =	sst s10  }
0x32: {  	s10 =	sld [smem:$0x3FAE];
	_ =	sdelay $0x3  }
0x33: {  	p0 =	seq.s32 s10, $0x1;
	s10 =	sld [smem:$0x3FB0];
	_ =	sdelay $0x3  }
0x34: {  	[smem:$0x3FB0] =	sst s10  }
0x35: {  	s10 =	sld [smem:$0x3FAF];
	_ =	sdelay $0x3  }
0x36: {  	p1 =	seq.s32 s10, $0x1;
	s10 =	sld [smem:$0x3FB0];
	_ =	sdelay $0x3  }
0x37: {  	[smem:$0x3FB0] =	sst s10  }
0x38: {  	s10 =	sld [smem:$0x3FB1]  }
0x39: {  	_ = 	snop;
	(pc) =	sbr.ind lr, $3  }
0x3a: {  	_ = 	snop  }
0x3b: {  	_ = 	snop  }
0x3c: {  	p2 =	seq.s32 s10, $0x1;
	s10 =	sld [smem:$0x3FB0]  }
0x3d: {  	_ =	shalt  }
0x3e: {  	_ =	shalt  }
0x3f: {  	_ =	shalt  }
0x40: {  	_ =	shalt  }
0x41: {  	_ =	shalt  }
0x42: {  	_ =	shalt  }
0x43: {  	_ =	shalt  }
0x44: {  	_ =	shalt  }
0x45: {  	_ =	shalt  }
0x46: {  	_ =	shalt  }
0x47: {  	_ =	shalt  }
0x48: {  	_ =	shalt  }
0x49: {  	_ =	shalt  }
0x4a: {  	_ =	shalt  }
0x4b: {  	_ =	shalt  }
0x4c: {  	_ =	shalt  }
0x4d: {  	_ =	shalt  }
0x4e: {  	_ =	shalt  }
0x4f: {  	_ =	shalt  }
0x50: {  	_ =	shalt  }
0x51: {  	_ =	shalt  }
0x52: {  	_ =	shalt  }
0x53: {  	_ =	shalt  }
0x54: {  	_ =	shalt  }
0x55: {  	_ =	shalt  }
0x56: {  	_ =	shalt  }
0x57: {  	_ =	shalt  }
0x58: {  	_ =	shalt  }
0x59: {  	_ =	shalt  }
0x5a: {  	_ =	shalt  }
0x5b: {  	_ =	shalt  }
0x5c: {  	_ =	shalt  }
0x5d: {  	_ =	shalt  }
0x5e: {  	_ =	shalt  }
0x5f: {  	_ =	shalt  }
0x60: {  	_ =	shalt  }
0x61: {  	_ =	shalt  }
0x62: {  	_ =	shalt  }
0x63: {  	_ =	shalt  }
0x64: {  	_ =	shalt  }
0x65: {  	_ =	shalt  }
0x66: {  	_ =	shalt  }
0x67: {  	_ =	shalt  }
0x68: {  	_ =	shalt  }
0x69: {  	_ =	shalt  }
0x6a: {  	_ =	shalt  }
0x6b: {  	_ =	shalt  }
0x6c: {  	_ =	shalt  }
0x6d: {  	_ =	shalt  }
0x6e: {  	_ =	shalt  }
0x6f: {  	_ =	shalt  }
0x70: {  	_ =	shalt  }
0x71: {  	_ =	shalt  }
0x72: {  	_ =	shalt  }
0x73: {  	_ =	shalt  }
0x74: {  	_ =	shalt  }
0x75: {  	_ =	shalt  }
0x76: {  	_ =	shalt  }
0x77: {  	_ =	shalt  }
0x78: {  	_ =	shalt  }
0x79: {  	_ =	shalt  }
0x7a: {  	_ =	shalt  }
0x7b: {  	_ =	shalt  }
0x7c: {  	_ =	shalt  }
0x7d: {  	_ =	shalt  }
0x7e: {  	_ =	shalt  }
0x7f: {  	_ =	shalt  }
0x80: {  	_ =	shalt  }
0x81: {  	_ =	shalt  }
0x82: {  	_ =	shalt  }
0x83: {  	_ =	shalt  }
0x84: {  	_ =	shalt  }
0x85: {  	_ =	shalt  }
0x86: {  	_ =	shalt  }
0x87: {  	_ =	shalt  }
.Lfunc_end0:
.L_simem_size_0:
called_computation.3_lowered:
.L_overlay_start_0:
0x88: {  	s2 =	sld [smem:$0x3FD9]  }
0x89: {  	s3 =	sld [smem:$0x3FFE];
	_ =	sdelay $0x1  }
0x8a: {  	s1 =	srdreg.scid  }
0x8b: {  	s0 =	sand.u32 $0x1, s1  }
0x8c: {  	s16 =	sshll.u32 s0, $0xA;
	s2 =	sadd.s32 s3, s2  }
0x8d: {  	s2 =	sadd.s32 s2, s16  }
0x8e: {  	[smem:$0x3FBC] =	sst s2  }
0x8f: {  	_ = 	snop  }
0x90: {  	(tm) =	ssettm $0x1  }
0x91: {  	s17 =	sld [smem:$0x3FFB];
	_ =	sdelay $0x3  }
0x92: {  	_ =	strace s17  }
0x93: {  	s2 =	sld [smem:$0x3FFC];
	_ =	sdelay $0x3  }
0x94: {  	_ =	strace s2  }
0x95: {  	s2 =	sld [smem:$0x3FFD];
	_ =	sdelay $0x3  }
0x96: {  	_ =	strace s2  }
0x97: {  	_ =	strace $0x8FFFFFFF  }
0x98: {  	s18 =	sld [smem:$0x3FDB];
	_ =	sdelay $0x1  }
0x99: {  	s19 =	simm.s32 $_scs_section_size  }
0x9a: {  	s4 =	simm.s32 $_size__tile_overlayer_lowered;
	s5 =	simm.s32 $_tile_overlayer_lowered  }
0x9b: {  	s22 =	simm.s32 $0x1BFF;
	s21 =	sshll.u32 s5, $0x1;
	s2 =	sadd.s32 s19, s18  }
0x9c: {  	s6 =	simm.s32 $0x0;
	s20 =	sshll.u32 s4, $0x1;
	s4 =	sadd.s32 s21, s2  }
0x9d: {  	[timem:s6], [sflag:s22] =	dma.local [hbm:s4], s20  }
0x9e: {  	_ =	swait.ge [sflag:s22], s20  }
0x9f: {  	s3 =	ssub.s32 $0x0, s20;
	[sflag:s22] =	ssyncset.done $0x0  }
0xa0: {  	[sflag:s22] =	ssyncadd.s32 s3;
	_ =	sdelay $0x1  }
0xa1: {  	s23 =	simm.s32 $0x1B8B  }
0xa2: {  	_ =	swait.ge [sflag:s23], $0x1  }
0xa3: {  	[sflag:s23] =	ssyncset.done $0x0  }
0xa4: {  	s25 =	simm.s32 $0x1B8E;
	s24 =	sld [smem:$0x3FFE];
	[sflag:s23] =	ssyncadd.s32 $0xFFFFFFFF  }
0xa5: {  	s26 =	simm.s32 $execute0_lowered;
	[smem:$0x3FD2] =	sst s25  }
0xa6: {  	s4 =	sshll.u32 s26, $0x1;
	_ =	strace $0x8000004F;
	[dreg:$0x1] =	wrdreg $0xFFFFFFFF  }
0xa7: {  	s28 =	simm.s32 $_size_execute0_lowered;
	s2 =	sadd.s32 s2, s4;
	[dreg:$0x0] =	wrdreg $0x0  }
0xa8: {  	s4 =	sshll.u32 s28, $0x1;
	[dreg:$0x2] =	wrdreg s2  }
0xa9: {  	[dreg:$0x3] =	wrdreg s4  }
0xaa: {  	[dreg:$0x4] =	wrdreg $0xC0  }
0xab: {  	_ =	task [dreg:s6], $0x5FFFF  }
0xac: {  	[dreg:$0x1] =	wrdreg $0xFFFFFFFF  }
0xad: {  	[dreg:$0x0] =	wrdreg $0x60  }
0xae: {  	[dreg:$0x2] =	wrdreg s24  }
0xaf: {  	[dreg:$0x3] =	wrdreg $0xA8000  }
0xb0: {  	[dreg:$0x4] =	wrdreg $0x9  }
0xb1: {  	_ =	task.clear_ibuf [dreg:s6], $0x5FFFF;
	_ =	strace $0x9000004F  }
0xb2: {  	s29 =	simm.s32 $0x9;
	_ =	strace $0x80000051  }
0xb3: {  	_ =	swait.ge [sflag:s29], $0x1  }
0xb4: {  	[sflag:s29] =	ssyncadd.s32 $0xFFFFFFFF  }
0xb5: {  	_ =	strace $0x90000051  }
0xb6: {  	_ =	sfence  }
0xb7: {  	s30 =	sld [smem:$0x0];
	_ =	sdelay $0x2  }
0xb8: {  	s31 =	sshll.u32 s1, $0xD;
	s1 =	sshrl.u32 s1, $0x2  }
0xb9: {  	s3 =	sand.u32 $0x4000, s31;
	s1 =	sadd.s32 s1, s30  }
0xba: {  	s0 =	sor.u32 s3, s0;
	s1 =	sshll.u32 s1, $0x11  }
0xbb: {  	s0 =	sor.u32 s1, s0  }
0xbc: {  	s0 =	sadd.s32 $0x8F2B, s0  }
0xbd: {  	[sflag:s0] =	ssyncadd.remote.s32 $0x1  }
0xbe: {  	_ =	sfence.sel $0xFFFF  }
0xbf: {  	[dreg:$0x0] =	wrdreg $0xFFFFFFFF;
	(pc) =	sbr.abs _section_cstart, $3  }
0xc0: {  	[dreg:$0x1] =	wrdreg $0xFFFFFFFF  }
0xc1: {  	_ =	task.clear_ibuf [dreg:s6], $0x2FFFF;
	_ =	strace $0x9FFFFFFF  }
0xc2: {  	(tm) =	ssettm $0x7FFFFFFF  }
0xc3: {  	_ =	shalt  }
tec
execute0_lowered:
.L_overlay_start_1:
0x0: {  	(tag) =	ssettag $0x1  }
0x1: {  	s7 =	rddreg [dreg:$0x0]  }
0x2: {  	s1 =	rddreg [dreg:$0x1]  }
0x3: {  	s0 =	rddreg [dreg:$0x2];
	s3 =	simm.s32 $0x0;
	s2 =	srdreg.scid  }
0x4: {  	s17 =	simm.s32 $0x2800;
	s18 =	simm.s32 $0x6800;
	s8 =	sand.u32 $0x1, s2  }
0x5: {  	s19 =	simm.s32 $0x1;
	s2 =	stileid.u32;
	s9 =	smul.u32 $0x140000, s8  }
0x6: {  	s20 =	simm.s32 $0x2;
	s21 =	simm.s32 $0x2700;
	s10 =	smul.u32 $0x14000, s2  }
0x7: {  	s22 =	simm.s32 $0x2780;
	[smem:$0x7FF] =	sst s3;
	s11 =	smul.u32 $0x50000, s2  }
0x8: {  	s4 =	sadd.s32 $0x70000, s7;
	s5 =	sadd.s32 $0xC000, s7;
	s26 =	smul.u32 $0x28000, s8  }
0x9: {  	s6 =	sadd.s32 $0x2000, s7;
	s12 =	ssub.s32 $0x2, s8;
	s13 =	smul.u32 $0x2800, s2  }
0xa: {  	_ =	strace $0x80000050;
	s15 =	smul.u32 $0x50000, s8;
	s28 =	sshrl.u32 s12, $0x1  }
0xb: {  	s31 =	sshll.u32 s2, $0x6;
	s9 =	sadd.s32 s10, s9;
	s12 =	ssub.s32 s12, s28  }
0xc: {  	s29 =	sshrl.u32 s11, $0x2;
	s30 =	sadd.s32 s13, s26;
	s9 =	sshrl.u32 s9, $0x3  }
0xd: {  	s16 =	sadd.s32 s29, s1;
	s8 =	sadd.s32 s4, s30;
	s12 =	smax.u32 s12, $0x1  }
0xe: {  	s14 =	sadd.s32 s9, s7;
	s7 =	smul.u32 $0x5000, s2;
	s9 =	sor.u32 $0x1C03, s31  }
0xf: {  	s13 =	sshrl.u32 s16, $0x3;
	s16 =	simm.s32 $0x80;
	s11 =	sadd.s32 $0xC0000, s14  }
0x10: {  	s14 =	simm.s32 $0x3;
	s10 =	sadd.s32 s15, s7;
	s15 =	simm.s32 $0x1400  }
.LBB2_1:
0x11: {  	[spmem:s13], [sflag:s9] =	dma.local [hbm:s8], $0x2800  }
0x12: {  	_ =	swait.ge [sflag:s14], $0x2800  }
0x13: {  	[sflag:s14] =	ssyncset.done $0x0  }
0x14: {  	[sflag:s14] =	ssyncadd.s32 $0xFFFFD800  }
0x15: {  	s23 =	simm.s32 $0x0;
	[bflag:$0x0] =	sbarrier.arrive $0xFFFF  }
.LBB2_2:
0x16: {  	s24 =	smul.u32 $0x1400, s23;
	_ =	sdelay $0x1  }
0x17: {  	s25 =	sadd.s32 s10, s24  }
0x18: {  	s25 =	sshrl.u32 s25, $0x3  }
0x19: {  	s26 =	simm.s32 $0x0;
	s25 =	sadd.s32 s5, s25  }
0x1a: {  	[tilespmem:s26], [sflag:$0x3] =	stream.linear.gather [hbm4b:s25+s26], $0x1400, $0x38;
	[tilespmem:$0x1E800] =	vst v63  }
0x1b: {  	s24 =	sadd.s32 s7, s24;
	_ =	swait.ge [sflag:s14], $0x1400  }
0x1c: {  	s24 =	sshrl.u32 s24, $0x3;
	[sflag:s14] =	ssyncset.done $0x0  }
0x1d: {  	s24 =	sadd.s32 s6, s24;
	[sflag:s14] =	ssyncadd.s32 $0xFFFFEC00  }
0x1e: {  	[tilespmem:s15], [sflag:$0x3] =	stream.linear.gather [hbm4b:s24+s26], $0x1400, $0x38;
	[tilespmem:$0x1E800] =	vst v63  }
0x1f: {  	_ =	swait.ge [sflag:s14], $0x1400  }
0x20: {  	[sflag:s14] =	ssyncset.done $0x0  }
0x21: {  	[sflag:s14] =	ssyncadd.s32 $0xFFFFEC00  }
0x22: {  	[tilespmem:s17], [sflag:$0x1] =	stream.indirect.gather [hbm4b:s4+s16], $0x80, s26, s16, $0xb8;
	[tilespmem:$0x1E800] =	vst v63  }
0x23: {  	_ = 	snop  }
0x24: {  	[tilespmem:s18], [sflag:$0x2] =	stream.indirect.gather [hbm4b:s4+s16], $0x80, s16, s16, $0xb8;
	[tilespmem:$0x1E800] =	vst v63  }
0x25: {  	_ =	swait.ge [sflag:s19], $0x4000  }
0x26: {  	[sflag:s19] =	ssyncset.done $0x0  }
0x27: {  	s29 =	simm.s32 $0x1400;
	[sflag:s19] =	ssyncadd.s32 $0xFFFFC000  }
0x28: {  	[spmem:s1] =	stream.indirect.scatter.add.f32 [tilespmem:s17], [sflag:$0x3], $0x80, s29, s16, $0xb8;
	[tilespmem:$0x1E800] =	vst v63  }
0x29: {  	_ =	swait.ge [sflag:s14], $0x4000  }
0x2a: {  	[sflag:s14] =	ssyncset.done $0x0  }
0x2b: {  	s30 =	simm.s32 $0x100;
	[sflag:s14] =	ssyncadd.s32 $0xFFFFC000  }
0x2c: {  	[tilespmem:s17], [sflag:$0x1] =	stream.indirect.gather [hbm4b:s4+s16], $0x80, s30, s16, $0xb8;
	[tilespmem:$0x1E800] =	vst v63  }
0x2d: {  	_ =	swait.ge [sflag:s20], $0x4000  }
0x2e: {  	[sflag:s20] =	ssyncset.done $0x0  }
0x2f: {  	s31 =	simm.s32 $0x1480;
	[sflag:s20] =	ssyncadd.s32 $0xFFFFC000  }
0x30: {  	[spmem:s1] =	stream.indirect.scatter.add.f32 [tilespmem:s18], [sflag:$0x3], $0x80, s31, s16, $0xb8;
	[tilespmem:$0x1E800] =	vst v63  }
0x31: {  	_ =	swait.ge [sflag:s14], $0x4000  }
0x32: {  	[sflag:s14] =	ssyncset.done $0x0  }
0x33: {  	s25 =	simm.s32 $0x180;
	s24 =	simm.s32 $0x400;
	[sflag:s14] =	ssyncadd.s32 $0xFFFFC000  }
.LBB2_3:
0x34: {  	[tilespmem:s18], [sflag:$0x2] =	stream.indirect.gather [hbm4b:s4+s16], $0x80, s25, s16, $0xb8;
	[tilespmem:$0x1E800] =	vst v63  }
0x35: {  	s25 =	smov.u32 s24  }
0x36: {  	p0 =	sne.s32 s24, $0x4800;
	s24 =	sadd.s32 $0x400, s24;
	_ =	swait.ge [sflag:s19], $0x4000  }
0x37: {  	s25 =	sshra.s32 s25, $0x2;
	[sflag:s19] =	ssyncset.done $0x0  }
0x38: {  	s26 =	sadd.s32 $0x1400, s25;
	[sflag:s19] =	ssyncadd.s32 $0xFFFFC000  }
0x39: {  	[spmem:s1] =	stream.indirect.scatter.add.f32 [tilespmem:s17], [sflag:$0x3], $0x80, s26, s16, $0xb8;
	[tilespmem:$0x1E800] =	vst v63  }
0x3a: {  	_ =	swait.ge [sflag:s14], $0x4000  }
0x3b: {  	[sflag:s14] =	ssyncset.done $0x0  }
0x3c: {  	s26 =	sadd.s32 $0x100, s25;
	[sflag:s14] =	ssyncadd.s32 $0xFFFFC000  }
0x3d: {  	[tilespmem:s17], [sflag:$0x1] =	stream.indirect.gather [hbm4b:s4+s16], $0x80, s26, s16, $0xb8;
	[tilespmem:$0x1E800] =	vst v63  }
0x3e: {  	_ =	swait.ge [sflag:s20], $0x4000  }
0x3f: {  	[sflag:s20] =	ssyncset.done $0x0  }
.Ltmp0:
0x40: {  	s26 =	sadd.s32 $0x1480, s25;
	[sflag:s20] =	ssyncadd.s32 $0xFFFFC000;
	(pc) =	sbr.rel @p0 .LBB2_3-.Ltmp0, $4  }
0x41: {  	[spmem:s1] =	stream.indirect.scatter.add.f32 [tilespmem:s18], [sflag:$0x3], $0x80, s26, s16, $0xb8;
	[tilespmem:$0x1E800] =	vst v63  }
0x42: {  	_ =	swait.ge [sflag:s14], $0x4000  }
0x43: {  	[sflag:s14] =	ssyncset.done $0x0  }
0x44: {  	s25 =	sadd.s32 $0x180, s25;
	[sflag:s14] =	ssyncadd.s32 $0xFFFFC000  }
0x45: {  	[tilespmem:s18], [sflag:$0x2] =	stream.indirect.gather [hbm4b:s4+s16], $0x80, s25, s16, $0xb8;
	[tilespmem:$0x1E800] =	vst v63  }
0x46: {  	_ =	swait.ge [sflag:s19], $0x4000  }
0x47: {  	[sflag:s19] =	ssyncset.done $0x0  }
0x48: {  	[sflag:s19] =	ssyncadd.s32 $0xFFFFC000  }
0x49: {  	[spmem:s1] =	stream.indirect.scatter.add.f32 [tilespmem:s17], [sflag:$0x3], $0x80, s21, s16, $0xb8;
	[tilespmem:$0x1E800] =	vst v63  }
0x4a: {  	_ =	swait.ge [sflag:s14], $0x4000  }
0x4b: {  	[sflag:s14] =	ssyncset.done $0x0  }
0x4c: {  	[sflag:s14] =	ssyncadd.s32 $0xFFFFC000  }
0x4d: {  	s23 =	sadd.s32 $0x1, s23;
	_ =	swait.ge [sflag:s20], $0x4000  }
0x4e: {  	p0 =	sne.s32 s23, $0x4;
	[sflag:s20] =	ssyncset.done $0x0  }
.Ltmp1:
0x4f: {  	[sflag:s20] =	ssyncadd.s32 $0xFFFFC000;
	(pc) =	sbr.rel @p0 .LBB2_2-.Ltmp1, $4  }
0x50: {  	[spmem:s1] =	stream.indirect.scatter.add.f32 [tilespmem:s18], [sflag:$0x3], $0x80, s22, s16, $0xb8;
	[tilespmem:$0x1E800] =	vst v63  }
0x51: {  	_ =	swait.ge [sflag:s14], $0x4000  }
0x52: {  	[sflag:s14] =	ssyncset.done $0x0  }
0x53: {  	[sflag:s14] =	ssyncadd.s32 $0xFFFFC000  }
0x54: {  	s3 =	sadd.s32 $0x1, s3  }
0x55: {  	p0 =	sne.s32 s3, s12  }
.Ltmp2:
0x56: {  	[bflag:$0x0] =	sbarrier.arrive $0xFFFF;
	(pc) =	sbr.rel @p0 .LBB2_1-.Ltmp2, $4  }
0x57: {  	[hbm:s11], [sflag:s9] =	dma.local [spmem:s13], $0x2800  }
0x58: {  	_ =	swait.ge [sflag:s14], $0x2800  }
0x59: {  	[sflag:s14] =	ssyncset.done $0x0  }
0x5a: {  	[sflag:s14] =	ssyncadd.s32 $0xFFFFD800  }
0x5b: {  	_ =	sfence.sel $0x180000  }
0x5c: {  	[bflag:$0x0] =	sbarrier.arrive $0xFFFF  }
0x5d: {  	p0 =	sne.s32 s2, $0x0;
	_ =	strace $0x90000050  }
0x5e: {  	s0 =	sadd.s32 @!p0 $0x100000, s0;
	[bflag:$0x2] =	sbarrier.arrive $0xFFFF  }
0x5f: {  	[sflag:s0] =	ssyncadd.tile.s32 @!p0 $0x1;
	_ =	shalt  }
.Lfunc_end2:
_tile_overlayer_lowered:
.L_overlay_start_2:
0x60: {  	(tag) =	ssettag $0x2  }
0x61: {  	s0 =	rddreg [dreg:$0x0];
	s2 =	stileid.u32  }
0x62: {  	s1 =	rddreg [dreg:$0x1];
	p0 =	sne.s32 s2, $0x0  }
0x63: {  	s3 =	rddreg [dreg:$0x2];
	[bflag:$0x3] =	sbarrier.arrive $0xFFFF;
	s2 =	simm.s32 @!p0 $0x1C03  }
0x64: {  	[timem:s3], [sflag:s2] =	dma.local @!p0 [hbm:s0], s1  }
0x65: {  	s0 =	simm.s32 @!p0 $0x3  }
0x66: {  	_ =	swait.ge @!p0 [sflag:s0], s1  }
0x67: {  	s1 =	ssub.s32 @!p0 $0x0, s1;
	[sflag:s0] =	ssyncset.done @!p0 $0x0  }
0x68: {  	[sflag:s0] =	ssyncadd.s32 @!p0 s1  }
0x69: {  	[bflag:$0x3] =	sbarrier.arrive $0xFFFF  }
0x6a: {  	_ =	shalt  }

</sc_bundles>
